<compile_context>
chip_gen: v7x
topology: tpu7x:2x2x1
jax: 0.10.2.dev20260603
libtpu: 0.0.44.dev20260713+nightly
codegen_flags: <defaults>
</compile_context>

<pallas_src>
import jax
import jax.numpy as jnp
from jax import lax
from jax.experimental import pallas as pl
from jax.experimental.pallas import tpu as pltpu
from jax.experimental.pallas import tpu_sc as plsc

B, L, D = 1024, 200, 256
N = B * L
H = D // 2
NC, NS = 2, 16
NW = NC * NS
TPW = N // NW
CHUNK = 64
NCHUNKS = TPW // CHUNK


def _prep_body(st_ref, sw_ref, sb_ref, ow_ref, ob_ref, pe_ref,
               fused_ref, w2_ref, pel_ref):
    w1 = ow_ref[pl.ds(0, H), :]
    w2 = ow_ref[pl.ds(H, H), :]
    fused_ref[...] = jnp.dot(st_ref[...], w1, preferred_element_type=jnp.float32)
    w2_ref[...] = jnp.dot(sw_ref[...], w2, preferred_element_type=jnp.float32) * 10.0
    cvec = jnp.dot(sb_ref[...].reshape(1, H), w2, preferred_element_type=jnp.float32)
    pel_ref[...] = pe_ref[...] + cvec + ob_ref[...].reshape(1, D)


_prep = pl.pallas_call(
    _prep_body,
    out_shape=[
        jax.ShapeDtypeStruct((1000, D), jnp.float32),
        jax.ShapeDtypeStruct((1, D), jnp.float32),
        jax.ShapeDtypeStruct((L, D), jnp.float32),
    ],
)

def _sc_body(idx_ref, val_ref, tab_ref, w2_ref, pe_ref, out_ref,
             idx_all, val_all, rows, outbuf, pe_v, w2_v, gsems, ssems):
    wid = lax.axis_index("s") * NC + lax.axis_index("c")
    gbase = wid * TPW
    pltpu.sync_copy(w2_ref, w2_v)
    pltpu.sync_copy(pe_ref, pe_v)
    pltpu.sync_copy(idx_ref.at[pl.ds(gbase, TPW)], idx_all)
    pltpu.sync_copy(val_ref.at[pl.ds(gbase, TPW)], val_all)

    w2regs = [w2_v[pl.ds(16 * k, 16)] for k in range(D // 16)]

    def prefetch(u, slot):
        pltpu.async_copy(
            tab_ref.at[idx_all.at[pl.ds(u * CHUNK, CHUNK)]],
            rows.at[slot], gsems.at[slot])

    prefetch(0, 0)
    prefetch(1, 1)

    def chunk_body(t, lstart):
        p = lax.rem(t, 4)
        o = lax.rem(t, 2)
        base = gbase + t * CHUNK

        @pl.when(t + 2 < NCHUNKS)
        def _():
            prefetch(t + 2, lax.rem(t + 2, 4))

        pltpu.make_async_copy(
            tab_ref.at[idx_all.at[pl.ds(t * CHUNK, CHUNK)]],
            rows.at[p], gsems.at[p]).wait()

        @pl.when(t >= 2)
        def _():
            pltpu.make_async_copy(
                outbuf.at[o], out_ref.at[pl.ds(0, CHUNK)], ssems.at[o]).wait()

        vbase = t * CHUNK

        @plsc.parallel_loop(0, CHUNK, unroll=2)
        def tok_body(c):
            lraw = lstart + c
            lpos = lax.select(lraw >= L, lraw - L, lraw)
            valv = plsc.load_gather(val_all, [jnp.full((16,), vbase + c)])
            for k in range(D // 32):
                ui = plsc.bitcast(rows[p, c, pl.ds(16 * k, 16)], jnp.uint32)
                a = plsc.bitcast(ui << 16, jnp.float32)
                b = plsc.bitcast(ui & jnp.uint32(0xFFFF0000), jnp.float32)
                sl0 = pl.ds(32 * k, 16)
                sl1 = pl.ds(32 * k + 16, 16)
                outbuf[o, c, sl0] = a + valv * w2regs[2 * k] + pe_v[lpos, sl0]
                outbuf[o, c, sl1] = (b + valv * w2regs[2 * k + 1]
                                     + pe_v[lpos, sl1])
        pltpu.async_copy(outbuf.at[o], out_ref.at[pl.ds(base, CHUNK)],
                         ssems.at[o])
        lnext = lstart + CHUNK
        return lax.select(lnext >= L, lnext - L, lnext)

    lax.fori_loop(0, NCHUNKS, chunk_body, 0)
    pltpu.make_async_copy(
        outbuf.at[0], out_ref.at[pl.ds(0, CHUNK)], ssems.at[0]).wait()
    pltpu.make_async_copy(
        outbuf.at[1], out_ref.at[pl.ds(0, CHUNK)], ssems.at[1]).wait()


_sc_call = pl.kernel(
    _sc_body,
    out_type=jax.ShapeDtypeStruct((N, D), jnp.float32),
    mesh=plsc.VectorSubcoreMesh(core_axis_name="c", subcore_axis_name="s"),
    compiler_params=pltpu.CompilerParams(needs_layout_passes=False),
    scratch_types=[
        pltpu.VMEM((TPW,), jnp.int32),
        pltpu.VMEM((TPW,), jnp.float32),
        pltpu.VMEM((4, CHUNK, H), jnp.float32),
        pltpu.VMEM((2, CHUNK, D), jnp.float32),
        pltpu.VMEM((L, D), jnp.float32),
        pltpu.VMEM((D,), jnp.float32),
        pltpu.SemaphoreType.DMA((4,)),
        pltpu.SemaphoreType.DMA((2,)),
    ],
)


@jax.jit
def kernel(x, station_table, size_W, size_b, out_W, out_b, pe):
    fused, w2, pel = _prep(station_table, size_W, size_b, out_W, out_b, pe[:L])
    tab_pk = jax.lax.bitcast_convert_type(
        fused.astype(jnp.bfloat16).reshape(1000, D // 32, 2, 16)
        .swapaxes(2, 3), jnp.float32).reshape(1000, H)
    idx = x[:, :, 0].astype(jnp.int32).reshape(-1)
    val = x[:, :, 1].reshape(-1)
    out = _sc_call(idx, val, tab_pk, w2.reshape(-1), pel)
    return out.reshape(B, L, D)

# --- scband reference (transcript-rebuilt; emitter-appended) ---
"""Pipeline reference for scband-object-embedding-44023414784612 (READ-ONLY COPY).

The authoritative reference and input builder live on the scoring server;
editing this copy changes nothing except your own understanding.
"""

import jax, jax.numpy as jnp
import numpy as np
import math

B, L, D_MODEL = 1024, 200, 256
VOCAB = 1000

def _make_pe(d_model):
    position = np.arange(0, 5000, dtype=np.float32)[:, None]
    div_term = np.exp(np.arange(0, d_model, 2, dtype=np.float32) * (-math.log(10000.0) / d_model))
    pe = np.zeros((5000, d_model), dtype=np.float32)
    pe[:, 0::2] = np.sin(position * div_term)
    pe[:, 1::2] = np.cos(position * div_term)
    return jnp.asarray(pe)

def setup_inputs(seed: int = 0) -> dict:
    key = jax.random.key(seed)
    ks = jax.random.split(key, 6)
    h = D_MODEL // 2
    # channel 0: integer-valued station ids stored as float (module does .long() on it)
    idx = jax.random.randint(ks[0], (B, L), 0, VOCAB).astype(jnp.float32)
    # channel 1: continuous size value
    val = jax.random.normal(ks[1], (B, L), dtype=jnp.float32)
    x = jnp.stack([idx, val], axis=-1)
    station_table = jax.random.normal(ks[2], (VOCAB, h), dtype=jnp.float32) * 0.02
    size_W = jax.random.normal(ks[3], (1, h), dtype=jnp.float32) * 0.02
    size_b = jnp.zeros((h,), dtype=jnp.float32)
    out_W = jax.random.normal(ks[4], (2 * h, D_MODEL), dtype=jnp.float32) * 0.02
    out_b = jnp.zeros((D_MODEL,), dtype=jnp.float32)
    pe = _make_pe(D_MODEL)
    return {"x": x, "station_table": station_table, "size_W": size_W, "size_b": size_b, "out_W": out_W, "out_b": out_b, "pe": pe}

def reference(x, station_table, size_W, size_b, out_W, out_b, pe):
    s_idx = x[:, :, 0].astype(jnp.int32)
    s_val = x[:, :, 1:2] * 10.0
    emb_idx = jnp.take(station_table, s_idx, axis=0)
    emb_val = s_val @ size_W + size_b
    cat = jnp.concatenate([emb_idx, emb_val], axis=-1)
    out = cat @ out_W + out_b
    out = out + pe[: x.shape[1], :]
    return out

if __name__ == "__main__":
    import jax
    _d = setup_inputs()
    print(jax.jit(kernel)(*tuple(_d.values())))

</pallas_src>

<mosaic_0001>
#map = affine_map<(d0, d1) -> (0)>
#map1 = affine_map<(d0, d1) -> (0, 0)>
module attributes {stable_mosaic.version = 14 : i64} {
  func.func @_sc_body(%arg0: i32, %arg1: i32, %arg2: memref<204800xi32, #tpu.memory_space<hbm>>, %arg3: memref<204800xf32, #tpu.memory_space<hbm>>, %arg4: memref<1000x128xf32, #tpu.memory_space<hbm>>, %arg5: memref<256xf32, #tpu.memory_space<hbm>>, %arg6: memref<200x256xf32, #tpu.memory_space<hbm>>, %arg7: memref<204800x256xf32, #tpu.memory_space<hbm>>, %arg8: memref<6400xi32, #tpu.memory_space<vmem>>, %arg9: memref<6400xf32, #tpu.memory_space<vmem>>, %arg10: memref<4x64x128xf32, #tpu.memory_space<vmem>>, %arg11: memref<2x64x256xf32, #tpu.memory_space<vmem>>, %arg12: memref<200x256xf32, #tpu.memory_space<vmem>>, %arg13: memref<256xf32, #tpu.memory_space<vmem>>, %arg14: memref<4x!tpu.dma_semaphore, #tpu.memory_space<semaphore_mem>>, %arg15: memref<2x!tpu.dma_semaphore, #tpu.memory_space<semaphore_mem>>) attributes {dimension_semantics = [#tpu.dimension_semantics<core_parallel>, #tpu.dimension_semantics<subcore_parallel>], iteration_bounds = array<i64: 2, 16>, scalar_prefetch = 0 : i64, scratch_operands = 8 : i64, tpu.core_type = #tpu.core_type<sc_vector_subcore>, window_params = [{transform_indices = #map}, {transform_indices = #map}, {transform_indices = #map1}, {transform_indices = #map}, {transform_indices = #map1}, {transform_indices = #map1}]} {
    %mul3A = arith.constant 2 : i32
    %mul3A_0 = arith.muli %arg1, %mul3A : i32
    %add3A = arith.addi %mul3A_0, %arg0 : i32
    %mul3A_1 = arith.constant 6400 : i32
    %mul3A_2 = arith.muli %add3A, %mul3A_1 : i32
    "tpu.region"() ({
      %run_scoped3A = tpu.sem_alloc : memref<!tpu.dma_semaphore, #tpu.memory_space<semaphore_mem>>
      tpu.enqueue_dma source(%arg5 : memref<256xf32, #tpu.memory_space<hbm>>) target(%arg13 : memref<256xf32, #tpu.memory_space<vmem>>) target_semaphore(%run_scoped3A : memref<!tpu.dma_semaphore, #tpu.memory_space<semaphore_mem>>)
      tpu.wait_dma2 semaphore(%run_scoped3A : memref<!tpu.dma_semaphore, #tpu.memory_space<semaphore_mem>>) src(%arg5 : memref<256xf32, #tpu.memory_space<hbm>>) dst(%arg13 : memref<256xf32, #tpu.memory_space<vmem>>)
      tpu.yield
    }) : () -> ()
    "tpu.region"() ({
      %run_scoped3A = tpu.sem_alloc : memref<!tpu.dma_semaphore, #tpu.memory_space<semaphore_mem>>
      tpu.enqueue_dma source(%arg6 : memref<200x256xf32, #tpu.memory_space<hbm>>) target(%arg12 : memref<200x256xf32, #tpu.memory_space<vmem>>) target_semaphore(%run_scoped3A : memref<!tpu.dma_semaphore, #tpu.memory_space<semaphore_mem>>)
      tpu.wait_dma2 semaphore(%run_scoped3A : memref<!tpu.dma_semaphore, #tpu.memory_space<semaphore_mem>>) src(%arg6 : memref<200x256xf32, #tpu.memory_space<hbm>>) dst(%arg12 : memref<200x256xf32, #tpu.memory_space<vmem>>)
      tpu.yield
    }) : () -> ()
    "tpu.region"() ({
      %run_scoped3A = tpu.sem_alloc : memref<!tpu.dma_semaphore, #tpu.memory_space<semaphore_mem>>
      %dma_start3A_100 = tpu.memref_slice %arg2[%mul3A_2] : memref<204800xi32, #tpu.memory_space<hbm>> -> memref<6400xi32, #tpu.memory_space<hbm>>
      %dma_start3A_101 = tpu.memref_slice %arg2[%mul3A_2] : memref<204800xi32, #tpu.memory_space<hbm>> -> memref<6400xi32, #tpu.memory_space<hbm>>
      tpu.enqueue_dma source(%dma_start3A_101 : memref<6400xi32, #tpu.memory_space<hbm>>) target(%arg8 : memref<6400xi32, #tpu.memory_space<vmem>>) target_semaphore(%run_scoped3A : memref<!tpu.dma_semaphore, #tpu.memory_space<semaphore_mem>>)
      %dma_wait3A_102 = tpu.memref_slice %arg2[%mul3A_2] : memref<204800xi32, #tpu.memory_space<hbm>> -> memref<6400xi32, #tpu.memory_space<hbm>>
      %dma_wait3A_103 = tpu.memref_slice %arg2[%mul3A_2] : memref<204800xi32, #tpu.memory_space<hbm>> -> memref<6400xi32, #tpu.memory_space<hbm>>
      tpu.wait_dma2 semaphore(%run_scoped3A : memref<!tpu.dma_semaphore, #tpu.memory_space<semaphore_mem>>) src(%dma_wait3A_103 : memref<6400xi32, #tpu.memory_space<hbm>>) dst(%arg8 : memref<6400xi32, #tpu.memory_space<vmem>>)
      tpu.yield
    }) : () -> ()
    "tpu.region"() ({
      %run_scoped3A = tpu.sem_alloc : memref<!tpu.dma_semaphore, #tpu.memory_space<semaphore_mem>>
      %dma_start3A_100 = tpu.memref_slice %arg3[%mul3A_2] : memref<204800xf32, #tpu.memory_space<hbm>> -> memref<6400xf32, #tpu.memory_space<hbm>>
      %dma_start3A_101 = tpu.memref_slice %arg3[%mul3A_2] : memref<204800xf32, #tpu.memory_space<hbm>> -> memref<6400xf32, #tpu.memory_space<hbm>>
      tpu.enqueue_dma source(%dma_start3A_101 : memref<6400xf32, #tpu.memory_space<hbm>>) target(%arg9 : memref<6400xf32, #tpu.memory_space<vmem>>) target_semaphore(%run_scoped3A : memref<!tpu.dma_semaphore, #tpu.memory_space<semaphore_mem>>)
      %dma_wait3A_102 = tpu.memref_slice %arg3[%mul3A_2] : memref<204800xf32, #tpu.memory_space<hbm>> -> memref<6400xf32, #tpu.memory_space<hbm>>
      %dma_wait3A_103 = tpu.memref_slice %arg3[%mul3A_2] : memref<204800xf32, #tpu.memory_space<hbm>> -> memref<6400xf32, #tpu.memory_space<hbm>>
      tpu.wait_dma2 semaphore(%run_scoped3A : memref<!tpu.dma_semaphore, #tpu.memory_space<semaphore_mem>>) src(%dma_wait3A_103 : memref<6400xf32, #tpu.memory_space<hbm>>) dst(%arg9 : memref<6400xf32, #tpu.memory_space<vmem>>)
      tpu.yield
    }) : () -> ()
    %get3A = arith.constant 0 : index
    %get3A_3 = tpu.vector_load %arg13[%get3A] {strides = array<i32>} : memref<256xf32, #tpu.memory_space<vmem>>, vector<16xf32>,
    %get3A_4 = arith.constant 16 : index
    %get3A_5 = tpu.vector_load %arg13[%get3A_4] {strides = array<i32>} : memref<256xf32, #tpu.memory_space<vmem>>, vector<16xf32>,
    %get3A_6 = arith.constant 32 : index
    %get3A_7 = tpu.vector_load %arg13[%get3A_6] {strides = array<i32>} : memref<256xf32, #tpu.memory_space<vmem>>, vector<16xf32>,
    %get3A_8 = arith.constant 48 : index
    %get3A_9 = tpu.vector_load %arg13[%get3A_8] {strides = array<i32>} : memref<256xf32, #tpu.memory_space<vmem>>, vector<16xf32>,
    %get3A_10 = arith.constant 64 : index
    %get3A_11 = tpu.vector_load %arg13[%get3A_10] {strides = array<i32>} : memref<256xf32, #tpu.memory_space<vmem>>, vector<16xf32>,
    %get3A_12 = arith.constant 80 : index
    %get3A_13 = tpu.vector_load %arg13[%get3A_12] {strides = array<i32>} : memref<256xf32, #tpu.memory_space<vmem>>, vector<16xf32>,
    %get3A_14 = arith.constant 96 : index
    %get3A_15 = tpu.vector_load %arg13[%get3A_14] {strides = array<i32>} : memref<256xf32, #tpu.memory_space<vmem>>, vector<16xf32>,
    %get3A_16 = arith.constant 112 : index
    %get3A_17 = tpu.vector_load %arg13[%get3A_16] {strides = array<i32>} : memref<256xf32, #tpu.memory_space<vmem>>, vector<16xf32>,
    %get3A_18 = arith.constant 128 : index
    %get3A_19 = tpu.vector_load %arg13[%get3A_18] {strides = array<i32>} : memref<256xf32, #tpu.memory_space<vmem>>, vector<16xf32>,
    %get3A_20 = arith.constant 144 : index
    %get3A_21 = tpu.vector_load %arg13[%get3A_20] {strides = array<i32>} : memref<256xf32, #tpu.memory_space<vmem>>, vector<16xf32>,
    %get3A_22 = arith.constant 160 : index
    %get3A_23 = tpu.vector_load %arg13[%get3A_22] {strides = array<i32>} : memref<256xf32, #tpu.memory_space<vmem>>, vector<16xf32>,
    %get3A_24 = arith.constant 176 : index
    %get3A_25 = tpu.vector_load %arg13[%get3A_24] {strides = array<i32>} : memref<256xf32, #tpu.memory_space<vmem>>, vector<16xf32>,
    %get3A_26 = arith.constant 192 : index
    %get3A_27 = tpu.vector_load %arg13[%get3A_26] {strides = array<i32>} : memref<256xf32, #tpu.memory_space<vmem>>, vector<16xf32>,
    %get3A_28 = arith.constant 208 : index
    %get3A_29 = tpu.vector_load %arg13[%get3A_28] {strides = array<i32>} : memref<256xf32, #tpu.memory_space<vmem>>, vector<16xf32>,
    %get3A_30 = arith.constant 224 : index
    %get3A_31 = tpu.vector_load %arg13[%get3A_30] {strides = array<i32>} : memref<256xf32, #tpu.memory_space<vmem>>, vector<16xf32>,
    %get3A_32 = arith.constant 240 : index
    %get3A_33 = tpu.vector_load %arg13[%get3A_32] {strides = array<i32>} : memref<256xf32, #tpu.memory_space<vmem>>, vector<16xf32>,
    %dma_start3A = arith.constant 0 : i32
    %dma_start3A_34 = arith.constant 0 : i32
    %dma_start3A_35 = arith.constant 0 : i32
    %dma_start3A_36 = arith.constant 0 : i32
    %dma_start3A_37 = tpu.memref_slice %arg10[%dma_start3A, %dma_start3A_35, %dma_start3A_36] : memref<4x64x128xf32, #tpu.memory_space<vmem>> -> memref<1x64x128xf32, #tpu.memory_space<vmem>>
    %dma_start3A_38 = tpu.memref_squeeze %dma_start3A_37 : memref<1x64x128xf32, #tpu.memory_space<vmem>> -> memref<64x128xf32, #tpu.memory_space<vmem>>
    %dma_start3A_39 = arith.constant 0 : i32
    %dma_start3A_40 = tpu.memref_slice %arg8[%dma_start3A_39] : memref<6400xi32, #tpu.memory_space<vmem>> -> memref<64xi32, #tpu.memory_space<vmem>>
    %dma_start3A_41 = arith.constant 0 : i32
    %dma_start3A_42 = arith.constant 0 : i32
    %dma_start3A_43 = tpu.memref_slice %arg4[%dma_start3A_41, %dma_start3A_42] : memref<1000x128xf32, #tpu.memory_space<hbm>> -> memref<1000x128xf32, #tpu.memory_space<hbm>>
    %dma_start3A_44 = tpu.memref_slice %arg14[%dma_start3A_34] : memref<4x!tpu.dma_semaphore, #tpu.memory_space<semaphore_mem>> -> memref<1x!tpu.dma_semaphore, #tpu.memory_space<semaphore_mem>>
    %dma_start3A_45 = tpu.memref_squeeze %dma_start3A_44 : memref<1x!tpu.dma_semaphore, #tpu.memory_space<semaphore_mem>> -> memref<!tpu.dma_semaphore, #tpu.memory_space<semaphore_mem>>
    tpu.enqueue_indirect_dma source(%dma_start3A_43 : memref<1000x128xf32, #tpu.memory_space<hbm>>) target(%dma_start3A_38 : memref<64x128xf32, #tpu.memory_space<vmem>>) offsets(%dma_start3A_40 : memref<64xi32, #tpu.memory_space<vmem>>) semaphore(%dma_start3A_45 : memref<!tpu.dma_semaphore, #tpu.memory_space<semaphore_mem>>)
    %dma_start3A_46 = arith.constant 1 : i32
    %dma_start3A_47 = arith.constant 1 : i32
    %dma_start3A_48 = arith.constant 0 : i32
    %dma_start3A_49 = arith.constant 0 : i32
    %dma_start3A_50 = tpu.memref_slice %arg10[%dma_start3A_46, %dma_start3A_48, %dma_start3A_49] : memref<4x64x128xf32, #tpu.memory_space<vmem>> -> memref<1x64x128xf32, #tpu.memory_space<vmem>>
    %dma_start3A_51 = tpu.memref_squeeze %dma_start3A_50 : memref<1x64x128xf32, #tpu.memory_space<vmem>> -> memref<64x128xf32, #tpu.memory_space<vmem>>
    %dma_start3A_52 = arith.constant 64 : i32
    %dma_start3A_53 = tpu.memref_slice %arg8[%dma_start3A_52] : memref<6400xi32, #tpu.memory_space<vmem>> -> memref<64xi32, #tpu.memory_space<vmem>>
    %dma_start3A_54 = arith.constant 0 : i32
    %dma_start3A_55 = arith.constant 0 : i32
    %dma_start3A_56 = tpu.memref_slice %arg4[%dma_start3A_54, %dma_start3A_55] : memref<1000x128xf32, #tpu.memory_space<hbm>> -> memref<1000x128xf32, #tpu.memory_space<hbm>>
    %dma_start3A_57 = tpu.memref_slice %arg14[%dma_start3A_47] : memref<4x!tpu.dma_semaphore, #tpu.memory_space<semaphore_mem>> -> memref<1x!tpu.dma_semaphore, #tpu.memory_space<semaphore_mem>>
    %dma_start3A_58 = tpu.memref_squeeze %dma_start3A_57 : memref<1x!tpu.dma_semaphore, #tpu.memory_space<semaphore_mem>> -> memref<!tpu.dma_semaphore, #tpu.memory_space<semaphore_mem>>
    tpu.enqueue_indirect_dma source(%dma_start3A_56 : memref<1000x128xf32, #tpu.memory_space<hbm>>) target(%dma_start3A_51 : memref<64x128xf32, #tpu.memory_space<vmem>>) offsets(%dma_start3A_53 : memref<64xi32, #tpu.memory_space<vmem>>) semaphore(%dma_start3A_58 : memref<!tpu.dma_semaphore, #tpu.memory_space<semaphore_mem>>)
    %scan3A = arith.constant 0 : i32
    %scan3A_59 = arith.constant 0 : i32
    %scan3A_60 = arith.constant 100 : i32
    %scan3A_61 = arith.addi %scan3A_59, %scan3A_60 : i32
    %scan3A_62 = arith.constant 1 : i32
    %scan3A_63 = scf.for %scan3A_100 = %scan3A_59 to %scan3A_61 step %scan3A_62 iter_args(%scan3A_101 = %scan3A) -> (i32)  : i32 {
      %rem3A = arith.constant 4 : i32
      %rem3A_102 = arith.remsi %scan3A_100, %rem3A : i32
      %rem3A_103 = arith.constant 2 : i32
      %rem3A_104 = arith.remsi %scan3A_100, %rem3A_103 : i32
      %mul3A_105 = arith.constant 64 : i32
      %mul3A_106 = arith.muli %scan3A_100, %mul3A_105 : i32
      %add3A_107 = arith.addi %mul3A_2, %mul3A_106 : i32
      %add3A_108 = arith.constant 2 : i32
      %add3A_109 = arith.addi %scan3A_100, %add3A_108 : i32
      %lt3A = arith.constant 100 : i32
      %lt3A_110 = arith.cmpi slt, %add3A_109, %lt3A : i32
      %convert_element_type3A = arith.extui %lt3A_110 : i1 to i32
      %cond3A = arith.constant 0 : i32
      %cond3A_111 = arith.cmpi ne, %convert_element_type3A, %cond3A : i32
      scf.if %cond3A_111 {
        %add3A_151 = arith.constant 2 : i32
        %add3A_152 = arith.addi %scan3A_100, %add3A_151 : i32
        %add3A_153 = arith.constant 2 : i32
        %add3A_154 = arith.addi %scan3A_100, %add3A_153 : i32
        %rem3A_155 = arith.constant 4 : i32
        %rem3A_156 = arith.remsi %add3A_154, %rem3A_155 : i32
        %mul3A_157 = arith.constant 64 : i32
        %mul3A_158 = arith.muli %add3A_152, %mul3A_157 : i32
        %dma_start3A_159 = arith.constant 0 : i32
        %dma_start3A_160 = arith.constant 0 : i32
        %dma_start3A_161 = tpu.memref_slice %arg10[%rem3A_156, %dma_start3A_159, %dma_start3A_160] : memref<4x64x128xf32, #tpu.memory_space<vmem>> -> memref<1x64x128xf32, #tpu.memory_space<vmem>>
        %dma_start3A_162 = tpu.memref_squeeze %dma_start3A_161 : memref<1x64x128xf32, #tpu.memory_space<vmem>> -> memref<64x128xf32, #tpu.memory_space<vmem>>
        %dma_start3A_163 = tpu.memref_slice %arg8[%mul3A_158] : memref<6400xi32, #tpu.memory_space<vmem>> -> memref<64xi32, #tpu.memory_space<vmem>>
        %dma_start3A_164 = arith.constant 0 : i32
        %dma_start3A_165 = arith.constant 0 : i32
        %dma_start3A_166 = tpu.memref_slice %arg4[%dma_start3A_164, %dma_start3A_165] : memref<1000x128xf32, #tpu.memory_space<hbm>> -> memref<1000x128xf32, #tpu.memory_space<hbm>>
        %dma_start3A_167 = tpu.memref_slice %arg14[%rem3A_156] : memref<4x!tpu.dma_semaphore, #tpu.memory_space<semaphore_mem>> -> memref<1x!tpu.dma_semaphore, #tpu.memory_space<semaphore_mem>>
        %dma_start3A_168 = tpu.memref_squeeze %dma_start3A_167 : memref<1x!tpu.dma_semaphore, #tpu.memory_space<semaphore_mem>> -> memref<!tpu.dma_semaphore, #tpu.memory_space<semaphore_mem>>
        tpu.enqueue_indirect_dma source(%dma_start3A_166 : memref<1000x128xf32, #tpu.memory_space<hbm>>) target(%dma_start3A_162 : memref<64x128xf32, #tpu.memory_space<vmem>>) offsets(%dma_start3A_163 : memref<64xi32, #tpu.memory_space<vmem>>) semaphore(%dma_start3A_168 : memref<!tpu.dma_semaphore, #tpu.memory_space<semaphore_mem>>)
      } else {
      }
      %mul3A_112 = arith.constant 64 : i32
      %mul3A_113 = arith.muli %scan3A_100, %mul3A_112 : i32
      %dma_wait3A_114 = arith.constant 0 : i32
      %dma_wait3A_115 = arith.constant 0 : i32
      %dma_wait3A_116 = tpu.memref_slice %arg10[%rem3A_102, %dma_wait3A_114, %dma_wait3A_115] : memref<4x64x128xf32, #tpu.memory_space<vmem>> -> memref<1x64x128xf32, #tpu.memory_space<vmem>>
      %dma_wait3A_117 = tpu.memref_squeeze %dma_wait3A_116 : memref<1x64x128xf32, #tpu.memory_space<vmem>> -> memref<64x128xf32, #tpu.memory_space<vmem>>
      %dma_wait3A_118 = tpu.memref_slice %arg8[%mul3A_113] : memref<6400xi32, #tpu.memory_space<vmem>> -> memref<64xi32, #tpu.memory_space<vmem>>
      %dma_wait3A_119 = arith.constant 0 : i32
      %dma_wait3A_120 = arith.constant 0 : i32
      %dma_wait3A_121 = tpu.memref_slice %arg4[%dma_wait3A_119, %dma_wait3A_120] : memref<1000x128xf32, #tpu.memory_space<hbm>> -> memref<1000x128xf32, #tpu.memory_space<hbm>>
      %dma_wait3A_122 = tpu.memref_slice %arg14[%rem3A_102] : memref<4x!tpu.dma_semaphore, #tpu.memory_space<semaphore_mem>> -> memref<1x!tpu.dma_semaphore, #tpu.memory_space<semaphore_mem>>
      %dma_wait3A_123 = tpu.memref_squeeze %dma_wait3A_122 : memref<1x!tpu.dma_semaphore, #tpu.memory_space<semaphore_mem>> -> memref<!tpu.dma_semaphore, #tpu.memory_space<semaphore_mem>>
      tpu.wait_indirect_dma semaphore(%dma_wait3A_123 : memref<!tpu.dma_semaphore, #tpu.memory_space<semaphore_mem>>) src(%dma_wait3A_121 : memref<1000x128xf32, #tpu.memory_space<hbm>>) dst(%dma_wait3A_117 : memref<64x128xf32, #tpu.memory_space<vmem>>)
      %ge3A = arith.constant 2 : i32
      %ge3A_124 = arith.cmpi sge, %scan3A_100, %ge3A : i32
      %convert_element_type3A_125 = arith.extui %ge3A_124 : i1 to i32
      %cond3A_126 = arith.constant 0 : i32
      %cond3A_127 = arith.cmpi ne, %convert_element_type3A_125, %cond3A_126 : i32
      scf.if %cond3A_127 {
        %dma_wait3A_151 = arith.constant 0 : i32
        %dma_wait3A_152 = arith.constant 0 : i32
        %dma_wait3A_153 = tpu.memref_slice %arg11[%rem3A_104, %dma_wait3A_151, %dma_wait3A_152] : memref<2x64x256xf32, #tpu.memory_space<vmem>> -> memref<1x64x256xf32, #tpu.memory_space<vmem>>
        %dma_wait3A_154 = tpu.memref_squeeze %dma_wait3A_153 : memref<1x64x256xf32, #tpu.memory_space<vmem>> -> memref<64x256xf32, #tpu.memory_space<vmem>>
        %dma_wait3A_155 = arith.constant 0 : i32
        %dma_wait3A_156 = arith.constant 0 : i32
        %dma_wait3A_157 = tpu.memref_slice %arg7[%dma_wait3A_155, %dma_wait3A_156] : memref<204800x256xf32, #tpu.memory_space<hbm>> -> memref<64x256xf32, #tpu.memory_space<hbm>>
        %dma_wait3A_158 = tpu.memref_slice %arg15[%rem3A_104] : memref<2x!tpu.dma_semaphore, #tpu.memory_space<semaphore_mem>> -> memref<1x!tpu.dma_semaphore, #tpu.memory_space<semaphore_mem>>
        %dma_wait3A_159 = tpu.memref_squeeze %dma_wait3A_158 : memref<1x!tpu.dma_semaphore, #tpu.memory_space<semaphore_mem>> -> memref<!tpu.dma_semaphore, #tpu.memory_space<semaphore_mem>>
        %dma_wait3A_160 = arith.constant 0 : i32
        %dma_wait3A_161 = arith.constant 0 : i32
        %dma_wait3A_162 = tpu.memref_slice %arg7[%dma_wait3A_160, %dma_wait3A_161] : memref<204800x256xf32, #tpu.memory_space<hbm>> -> memref<64x256xf32, #tpu.memory_space<hbm>>
        %dma_wait3A_163 = arith.constant 0 : i32
        %dma_wait3A_164 = arith.constant 0 : i32
        %dma_wait3A_165 = tpu.memref_slice %arg11[%rem3A_104, %dma_wait3A_163, %dma_wait3A_164] : memref<2x64x256xf32, #tpu.memory_space<vmem>> -> memref<1x64x256xf32, #tpu.memory_space<vmem>>
        %dma_wait3A_166 = tpu.memref_squeeze %dma_wait3A_165 : memref<1x64x256xf32, #tpu.memory_space<vmem>> -> memref<64x256xf32, #tpu.memory_space<vmem>>
        tpu.wait_dma2 semaphore(%dma_wait3A_159 : memref<!tpu.dma_semaphore, #tpu.memory_space<semaphore_mem>>) src(%dma_wait3A_166 : memref<64x256xf32, #tpu.memory_space<vmem>>) dst(%dma_wait3A_162 : memref<64x256xf32, #tpu.memory_space<hbm>>)
      } else {
      }
      %mul3A_128 = arith.constant 64 : i32
      %mul3A_129 = arith.muli %scan3A_100, %mul3A_128 : i32
      %parallel_loop3A = arith.constant 0 : i32
      %parallel_loop3A_130 = arith.constant 64 : i32
      %parallel_loop3A_131 = arith.constant 1 : i32
      scf.for %parallel_loop3A_151 = %parallel_loop3A to %parallel_loop3A_130 step %parallel_loop3A_131  : i32 {
        %parallel_loop3A_152 = arith.addi %scan3A_101, %parallel_loop3A_151 : i32
        %parallel_loop3A_153 = arith.constant 200 : i32
        %parallel_loop3A_154 = arith.cmpi sge, %parallel_loop3A_152, %parallel_loop3A_153 : i32
        %parallel_loop3A_155 = arith.constant 200 : i32
        %parallel_loop3A_156 = arith.subi %parallel_loop3A_152, %parallel_loop3A_155 : i32
        %parallel_loop3A_157 = arith.select %parallel_loop3A_154, %parallel_loop3A_156, %parallel_loop3A_152 : i32
        %parallel_loop3A_158 = arith.addi %mul3A_129, %parallel_loop3A_151 : i32
        %parallel_loop3A_159 = vector.broadcast %parallel_loop3A_158 : i32 to vector<16xi32>
        %parallel_loop3A_160 = tpu.vector_load_idx %arg9[%parallel_loop3A_159] : memref<6400xf32, #tpu.memory_space<vmem>>[vector<16xi32>], vector<16xf32>,
        %parallel_loop3A_161 = arith.index_cast %rem3A_102 : i32 to index
        %parallel_loop3A_162 = arith.index_cast %parallel_loop3A_151 : i32 to index
        %parallel_loop3A_163 = arith.constant 0 : index
        %parallel_loop3A_164 = tpu.vector_load %arg10[%parallel_loop3A_161, %parallel_loop3A_162, %parallel_loop3A_163] {strides = array<i32>} : memref<4x64x128xf32, #tpu.memory_space<vmem>>, vector<16xf32>,
        %parallel_loop3A_165 = vector.bitcast %parallel_loop3A_164 : vector<16xf32> to vector<16xi32>
        %parallel_loop3A_166 = arith.constant 16 : i32
        %parallel_loop3A_167 = vector.broadcast %parallel_loop3A_166 : i32 to vector<16xi32>
        %parallel_loop3A_168 = arith.shli %parallel_loop3A_165, %parallel_loop3A_167 : vector<16xi32>
        %parallel_loop3A_169 = vector.bitcast %parallel_loop3A_168 : vector<16xi32> to vector<16xf32>
        %parallel_loop3A_170 = arith.constant -65536 : i32
        %parallel_loop3A_171 = vector.broadcast %parallel_loop3A_170 : i32 to vector<16xi32>
        %parallel_loop3A_172 = arith.andi %parallel_loop3A_165, %parallel_loop3A_171 : vector<16xi32>
        %parallel_loop3A_173 = vector.bitcast %parallel_loop3A_172 : vector<16xi32> to vector<16xf32>
        %parallel_loop3A_174 = arith.mulf %parallel_loop3A_160, %get3A_3 : vector<16xf32>
        %parallel_loop3A_175 = arith.addf %parallel_loop3A_169, %parallel_loop3A_174 : vector<16xf32>
        %parallel_loop3A_176 = arith.index_cast %parallel_loop3A_157 : i32 to index
        %parallel_loop3A_177 = arith.constant 0 : index
        %parallel_loop3A_178 = tpu.vector_load %arg12[%parallel_loop3A_176, %parallel_loop3A_177] {strides = array<i32>} : memref<200x256xf32, #tpu.memory_space<vmem>>, vector<16xf32>,
        %parallel_loop3A_179 = arith.addf %parallel_loop3A_175, %parallel_loop3A_178 : vector<16xf32>
        %parallel_loop3A_180 = arith.index_cast %rem3A_104 : i32 to index
        %parallel_loop3A_181 = arith.index_cast %parallel_loop3A_151 : i32 to index
        %parallel_loop3A_182 = arith.constant 0 : index
        %parallel_loop3A_183 = tpu.vector_load %arg11[%parallel_loop3A_180, %parallel_loop3A_181, %parallel_loop3A_182] {strides = array<i32>} : memref<2x64x256xf32, #tpu.memory_space<vmem>>, vector<16xf32>,
        tpu.vector_store %arg11[%parallel_loop3A_180, %parallel_loop3A_181, %parallel_loop3A_182], %parallel_loop3A_179 {strides = array<i32>} : memref<2x64x256xf32, #tpu.memory_space<vmem>>, vector<16xf32>,
        %parallel_loop3A_184 = arith.mulf %parallel_loop3A_160, %get3A_5 : vector<16xf32>
        %parallel_loop3A_185 = arith.addf %parallel_loop3A_173, %parallel_loop3A_184 : vector<16xf32>
        %parallel_loop3A_186 = arith.index_cast %parallel_loop3A_157 : i32 to index
        %parallel_loop3A_187 = arith.constant 16 : index
        %parallel_loop3A_188 = tpu.vector_load %arg12[%parallel_loop3A_186, %parallel_loop3A_187] {strides = array<i32>} : memref<200x256xf32, #tpu.memory_space<vmem>>, vector<16xf32>,
        %parallel_loop3A_189 = arith.addf %parallel_loop3A_185, %parallel_loop3A_188 : vector<16xf32>
        %parallel_loop3A_190 = arith.index_cast %rem3A_104 : i32 to index
        %parallel_loop3A_191 = arith.index_cast %parallel_loop3A_151 : i32 to index
        %parallel_loop3A_192 = arith.constant 16 : index
        %parallel_loop3A_193 = tpu.vector_load %arg11[%parallel_loop3A_190, %parallel_loop3A_191, %parallel_loop3A_192] {strides = array<i32>} : memref<2x64x256xf32, #tpu.memory_space<vmem>>, vector<16xf32>,
        tpu.vector_store %arg11[%parallel_loop3A_190, %parallel_loop3A_191, %parallel_loop3A_192], %parallel_loop3A_189 {strides = array<i32>} : memref<2x64x256xf32, #tpu.memory_space<vmem>>, vector<16xf32>,
        %parallel_loop3A_194 = arith.index_cast %rem3A_102 : i32 to index
        %parallel_loop3A_195 = arith.index_cast %parallel_loop3A_151 : i32 to index
        %parallel_loop3A_196 = arith.constant 16 : index
        %parallel_loop3A_197 = tpu.vector_load %arg10[%parallel_loop3A_194, %parallel_loop3A_195, %parallel_loop3A_196] {strides = array<i32>} : memref<4x64x128xf32, #tpu.memory_space<vmem>>, vector<16xf32>,
        %parallel_loop3A_198 = vector.bitcast %parallel_loop3A_197 : vector<16xf32> to vector<16xi32>
        %parallel_loop3A_199 = arith.constant 16 : i32
        %parallel_loop3A_200 = vector.broadcast %parallel_loop3A_199 : i32 to vector<16xi32>
        %parallel_loop3A_201 = arith.shli %parallel_loop3A_198, %parallel_loop3A_200 : vector<16xi32>
        %parallel_loop3A_202 = vector.bitcast %parallel_loop3A_201 : vector<16xi32> to vector<16xf32>
        %parallel_loop3A_203 = arith.constant -65536 : i32
        %parallel_loop3A_204 = vector.broadcast %parallel_loop3A_203 : i32 to vector<16xi32>
        %parallel_loop3A_205 = arith.andi %parallel_loop3A_198, %parallel_loop3A_204 : vector<16xi32>
        %parallel_loop3A_206 = vector.bitcast %parallel_loop3A_205 : vector<16xi32> to vector<16xf32>
        %parallel_loop3A_207 = arith.mulf %parallel_loop3A_160, %get3A_7 : vector<16xf32>
        %parallel_loop3A_208 = arith.addf %parallel_loop3A_202, %parallel_loop3A_207 : vector<16xf32>
        %parallel_loop3A_209 = arith.index_cast %parallel_loop3A_157 : i32 to index
        %parallel_loop3A_210 = arith.constant 32 : index
        %parallel_loop3A_211 = tpu.vector_load %arg12[%parallel_loop3A_209, %parallel_loop3A_210] {strides = array<i32>} : memref<200x256xf32, #tpu.memory_space<vmem>>, vector<16xf32>,
        %parallel_loop3A_212 = arith.addf %parallel_loop3A_208, %parallel_loop3A_211 : vector<16xf32>
        %parallel_loop3A_213 = arith.index_cast %rem3A_104 : i32 to index
        %parallel_loop3A_214 = arith.index_cast %parallel_loop3A_151 : i32 to index
        %parallel_loop3A_215 = arith.constant 32 : index
        %parallel_loop3A_216 = tpu.vector_load %arg11[%parallel_loop3A_213, %parallel_loop3A_214, %parallel_loop3A_215] {strides = array<i32>} : memref<2x64x256xf32, #tpu.memory_space<vmem>>, vector<16xf32>,
        tpu.vector_store %arg11[%parallel_loop3A_213, %parallel_loop3A_214, %parallel_loop3A_215], %parallel_loop3A_212 {strides = array<i32>} : memref<2x64x256xf32, #tpu.memory_space<vmem>>, vector<16xf32>,
        %parallel_loop3A_217 = arith.mulf %parallel_loop3A_160, %get3A_9 : vector<16xf32>
        %parallel_loop3A_218 = arith.addf %parallel_loop3A_206, %parallel_loop3A_217 : vector<16xf32>
        %parallel_loop3A_219 = arith.index_cast %parallel_loop3A_157 : i32 to index
        %parallel_loop3A_220 = arith.constant 48 : index
        %parallel_loop3A_221 = tpu.vector_load %arg12[%parallel_loop3A_219, %parallel_loop3A_220] {strides = array<i32>} : memref<200x256xf32, #tpu.memory_space<vmem>>, vector<16xf32>,
        %parallel_loop3A_222 = arith.addf %parallel_loop3A_218, %parallel_loop3A_221 : vector<16xf32>
        %parallel_loop3A_223 = arith.index_cast %rem3A_104 : i32 to index
        %parallel_loop3A_224 = arith.index_cast %parallel_loop3A_151 : i32 to index
        %parallel_loop3A_225 = arith.constant 48 : index
        %parallel_loop3A_226 = tpu.vector_load %arg11[%parallel_loop3A_223, %parallel_loop3A_224, %parallel_loop3A_225] {strides = array<i32>} : memref<2x64x256xf32, #tpu.memory_space<vmem>>, vector<16xf32>,
        tpu.vector_store %arg11[%parallel_loop3A_223, %parallel_loop3A_224, %parallel_loop3A_225], %parallel_loop3A_222 {strides = array<i32>} : memref<2x64x256xf32, #tpu.memory_space<vmem>>, vector<16xf32>,
        %parallel_loop3A_227 = arith.index_cast %rem3A_102 : i32 to index
        %parallel_loop3A_228 = arith.index_cast %parallel_loop3A_151 : i32 to index
        %parallel_loop3A_229 = arith.constant 32 : index
        %parallel_loop3A_230 = tpu.vector_load %arg10[%parallel_loop3A_227, %parallel_loop3A_228, %parallel_loop3A_229] {strides = array<i32>} : memref<4x64x128xf32, #tpu.memory_space<vmem>>, vector<16xf32>,
        %parallel_loop3A_231 = vector.bitcast %parallel_loop3A_230 : vector<16xf32> to vector<16xi32>
        %parallel_loop3A_232 = arith.constant 16 : i32
        %parallel_loop3A_233 = vector.broadcast %parallel_loop3A_232 : i32 to vector<16xi32>
        %parallel_loop3A_234 = arith.shli %parallel_loop3A_231, %parallel_loop3A_233 : vector<16xi32>
        %parallel_loop3A_235 = vector.bitcast %parallel_loop3A_234 : vector<16xi32> to vector<16xf32>
        %parallel_loop3A_236 = arith.constant -65536 : i32
        %parallel_loop3A_237 = vector.broadcast %parallel_loop3A_236 : i32 to vector<16xi32>
        %parallel_loop3A_238 = arith.andi %parallel_loop3A_231, %parallel_loop3A_237 : vector<16xi32>
        %parallel_loop3A_239 = vector.bitcast %parallel_loop3A_238 : vector<16xi32> to vector<16xf32>
        %parallel_loop3A_240 = arith.mulf %parallel_loop3A_160, %get3A_11 : vector<16xf32>
        %parallel_loop3A_241 = arith.addf %parallel_loop3A_235, %parallel_loop3A_240 : vector<16xf32>
        %parallel_loop3A_242 = arith.index_cast %parallel_loop3A_157 : i32 to index
        %parallel_loop3A_243 = arith.constant 64 : index
        %parallel_loop3A_244 = tpu.vector_load %arg12[%parallel_loop3A_242, %parallel_loop3A_243] {strides = array<i32>} : memref<200x256xf32, #tpu.memory_space<vmem>>, vector<16xf32>,
        %parallel_loop3A_245 = arith.addf %parallel_loop3A_241, %parallel_loop3A_244 : vector<16xf32>
        %parallel_loop3A_246 = arith.index_cast %rem3A_104 : i32 to index
        %parallel_loop3A_247 = arith.index_cast %parallel_loop3A_151 : i32 to index
        %parallel_loop3A_248 = arith.constant 64 : index
        %parallel_loop3A_249 = tpu.vector_load %arg11[%parallel_loop3A_246, %parallel_loop3A_247, %parallel_loop3A_248] {strides = array<i32>} : memref<2x64x256xf32, #tpu.memory_space<vmem>>, vector<16xf32>,
        tpu.vector_store %arg11[%parallel_loop3A_246, %parallel_loop3A_247, %parallel_loop3A_248], %parallel_loop3A_245 {strides = array<i32>} : memref<2x64x256xf32, #tpu.memory_space<vmem>>, vector<16xf32>,
        %parallel_loop3A_250 = arith.mulf %parallel_loop3A_160, %get3A_13 : vector<16xf32>
        %parallel_loop3A_251 = arith.addf %parallel_loop3A_239, %parallel_loop3A_250 : vector<16xf32>
        %parallel_loop3A_252 = arith.index_cast %parallel_loop3A_157 : i32 to index
        %parallel_loop3A_253 = arith.constant 80 : index
        %parallel_loop3A_254 = tpu.vector_load %arg12[%parallel_loop3A_252, %parallel_loop3A_253] {strides = array<i32>} : memref<200x256xf32, #tpu.memory_space<vmem>>, vector<16xf32>,
        %parallel_loop3A_255 = arith.addf %parallel_loop3A_251, %parallel_loop3A_254 : vector<16xf32>
        %parallel_loop3A_256 = arith.index_cast %rem3A_104 : i32 to index
        %parallel_loop3A_257 = arith.index_cast %parallel_loop3A_151 : i32 to index
        %parallel_loop3A_258 = arith.constant 80 : index
        %parallel_loop3A_259 = tpu.vector_load %arg11[%parallel_loop3A_256, %parallel_loop3A_257, %parallel_loop3A_258] {strides = array<i32>} : memref<2x64x256xf32, #tpu.memory_space<vmem>>, vector<16xf32>,
        tpu.vector_store %arg11[%parallel_loop3A_256, %parallel_loop3A_257, %parallel_loop3A_258], %parallel_loop3A_255 {strides = array<i32>} : memref<2x64x256xf32, #tpu.memory_space<vmem>>, vector<16xf32>,
        %parallel_loop3A_260 = arith.index_cast %rem3A_102 : i32 to index
        %parallel_loop3A_261 = arith.index_cast %parallel_loop3A_151 : i32 to index
        %parallel_loop3A_262 = arith.constant 48 : index
        %parallel_loop3A_263 = tpu.vector_load %arg10[%parallel_loop3A_260, %parallel_loop3A_261, %parallel_loop3A_262] {strides = array<i32>} : memref<4x64x128xf32, #tpu.memory_space<vmem>>, vector<16xf32>,
        %parallel_loop3A_264 = vector.bitcast %parallel_loop3A_263 : vector<16xf32> to vector<16xi32>
        %parallel_loop3A_265 = arith.constant 16 : i32
        %parallel_loop3A_266 = vector.broadcast %parallel_loop3A_265 : i32 to vector<16xi32>
        %parallel_loop3A_267 = arith.shli %parallel_loop3A_264, %parallel_loop3A_266 : vector<16xi32>
        %parallel_loop3A_268 = vector.bitcast %parallel_loop3A_267 : vector<16xi32> to vector<16xf32>
        %parallel_loop3A_269 = arith.constant -65536 : i32
        %parallel_loop3A_270 = vector.broadcast %parallel_loop3A_269 : i32 to vector<16xi32>
        %parallel_loop3A_271 = arith.andi %parallel_loop3A_264, %parallel_loop3A_270 : vector<16xi32>
        %parallel_loop3A_272 = vector.bitcast %parallel_loop3A_271 : vector<16xi32> to vector<16xf32>
        %parallel_loop3A_273 = arith.mulf %parallel_loop3A_160, %get3A_15 : vector<16xf32>
        %parallel_loop3A_274 = arith.addf %parallel_loop3A_268, %parallel_loop3A_273 : vector<16xf32>
        %parallel_loop3A_275 = arith.index_cast %parallel_loop3A_157 : i32 to index
        %parallel_loop3A_276 = arith.constant 96 : index
        %parallel_loop3A_277 = tpu.vector_load %arg12[%parallel_loop3A_275, %parallel_loop3A_276] {strides = array<i32>} : memref<200x256xf32, #tpu.memory_space<vmem>>, vector<16xf32>,
        %parallel_loop3A_278 = arith.addf %parallel_loop3A_274, %parallel_loop3A_277 : vector<16xf32>
        %parallel_loop3A_279 = arith.index_cast %rem3A_104 : i32 to index
        %parallel_loop3A_280 = arith.index_cast %parallel_loop3A_151 : i32 to index
        %parallel_loop3A_281 = arith.constant 96 : index
        %parallel_loop3A_282 = tpu.vector_load %arg11[%parallel_loop3A_279, %parallel_loop3A_280, %parallel_loop3A_281] {strides = array<i32>} : memref<2x64x256xf32, #tpu.memory_space<vmem>>, vector<16xf32>,
        tpu.vector_store %arg11[%parallel_loop3A_279, %parallel_loop3A_280, %parallel_loop3A_281], %parallel_loop3A_278 {strides = array<i32>} : memref<2x64x256xf32, #tpu.memory_space<vmem>>, vector<16xf32>,
        %parallel_loop3A_283 = arith.mulf %parallel_loop3A_160, %get3A_17 : vector<16xf32>
        %parallel_loop3A_284 = arith.addf %parallel_loop3A_272, %parallel_loop3A_283 : vector<16xf32>
        %parallel_loop3A_285 = arith.index_cast %parallel_loop3A_157 : i32 to index
        %parallel_loop3A_286 = arith.constant 112 : index
        %parallel_loop3A_287 = tpu.vector_load %arg12[%parallel_loop3A_285, %parallel_loop3A_286] {strides = array<i32>} : memref<200x256xf32, #tpu.memory_space<vmem>>, vector<16xf32>,
        %parallel_loop3A_288 = arith.addf %parallel_loop3A_284, %parallel_loop3A_287 : vector<16xf32>
        %parallel_loop3A_289 = arith.index_cast %rem3A_104 : i32 to index
        %parallel_loop3A_290 = arith.index_cast %parallel_loop3A_151 : i32 to index
        %parallel_loop3A_291 = arith.constant 112 : index
        %parallel_loop3A_292 = tpu.vector_load %arg11[%parallel_loop3A_289, %parallel_loop3A_290, %parallel_loop3A_291] {strides = array<i32>} : memref<2x64x256xf32, #tpu.memory_space<vmem>>, vector<16xf32>,
        tpu.vector_store %arg11[%parallel_loop3A_289, %parallel_loop3A_290, %parallel_loop3A_291], %parallel_loop3A_288 {strides = array<i32>} : memref<2x64x256xf32, #tpu.memory_space<vmem>>, vector<16xf32>,
        %parallel_loop3A_293 = arith.index_cast %rem3A_102 : i32 to index
        %parallel_loop3A_294 = arith.index_cast %parallel_loop3A_151 : i32 to index
        %parallel_loop3A_295 = arith.constant 64 : index
        %parallel_loop3A_296 = tpu.vector_load %arg10[%parallel_loop3A_293, %parallel_loop3A_294, %parallel_loop3A_295] {strides = array<i32>} : memref<4x64x128xf32, #tpu.memory_space<vmem>>, vector<16xf32>,
        %parallel_loop3A_297 = vector.bitcast %parallel_loop3A_296 : vector<16xf32> to vector<16xi32>
        %parallel_loop3A_298 = arith.constant 16 : i32
        %parallel_loop3A_299 = vector.broadcast %parallel_loop3A_298 : i32 to vector<16xi32>
        %parallel_loop3A_300 = arith.shli %parallel_loop3A_297, %parallel_loop3A_299 : vector<16xi32>
        %parallel_loop3A_301 = vector.bitcast %parallel_loop3A_300 : vector<16xi32> to vector<16xf32>
        %parallel_loop3A_302 = arith.constant -65536 : i32
        %parallel_loop3A_303 = vector.broadcast %parallel_loop3A_302 : i32 to vector<16xi32>
        %parallel_loop3A_304 = arith.andi %parallel_loop3A_297, %parallel_loop3A_303 : vector<16xi32>
        %parallel_loop3A_305 = vector.bitcast %parallel_loop3A_304 : vector<16xi32> to vector<16xf32>
        %parallel_loop3A_306 = arith.mulf %parallel_loop3A_160, %get3A_19 : vector<16xf32>
        %parallel_loop3A_307 = arith.addf %parallel_loop3A_301, %parallel_loop3A_306 : vector<16xf32>
        %parallel_loop3A_308 = arith.index_cast %parallel_loop3A_157 : i32 to index
        %parallel_loop3A_309 = arith.constant 128 : index
        %parallel_loop3A_310 = tpu.vector_load %arg12[%parallel_loop3A_308, %parallel_loop3A_309] {strides = array<i32>} : memref<200x256xf32, #tpu.memory_space<vmem>>, vector<16xf32>,
        %parallel_loop3A_311 = arith.addf %parallel_loop3A_307, %parallel_loop3A_310 : vector<16xf32>
        %parallel_loop3A_312 = arith.index_cast %rem3A_104 : i32 to index
        %parallel_loop3A_313 = arith.index_cast %parallel_loop3A_151 : i32 to index
        %parallel_loop3A_314 = arith.constant 128 : index
        %parallel_loop3A_315 = tpu.vector_load %arg11[%parallel_loop3A_312, %parallel_loop3A_313, %parallel_loop3A_314] {strides = array<i32>} : memref<2x64x256xf32, #tpu.memory_space<vmem>>, vector<16xf32>,
        tpu.vector_store %arg11[%parallel_loop3A_312, %parallel_loop3A_313, %parallel_loop3A_314], %parallel_loop3A_311 {strides = array<i32>} : memref<2x64x256xf32, #tpu.memory_space<vmem>>, vector<16xf32>,
        %parallel_loop3A_316 = arith.mulf %parallel_loop3A_160, %get3A_21 : vector<16xf32>
        %parallel_loop3A_317 = arith.addf %parallel_loop3A_305, %parallel_loop3A_316 : vector<16xf32>
        %parallel_loop3A_318 = arith.index_cast %parallel_loop3A_157 : i32 to index
        %parallel_loop3A_319 = arith.constant 144 : index
        %parallel_loop3A_320 = tpu.vector_load %arg12[%parallel_loop3A_318, %parallel_loop3A_319] {strides = array<i32>} : memref<200x256xf32, #tpu.memory_space<vmem>>, vector<16xf32>,
        %parallel_loop3A_321 = arith.addf %parallel_loop3A_317, %parallel_loop3A_320 : vector<16xf32>
        %parallel_loop3A_322 = arith.index_cast %rem3A_104 : i32 to index
        %parallel_loop3A_323 = arith.index_cast %parallel_loop3A_151 : i32 to index
        %parallel_loop3A_324 = arith.constant 144 : index
        %parallel_loop3A_325 = tpu.vector_load %arg11[%parallel_loop3A_322, %parallel_loop3A_323, %parallel_loop3A_324] {strides = array<i32>} : memref<2x64x256xf32, #tpu.memory_space<vmem>>, vector<16xf32>,
        tpu.vector_store %arg11[%parallel_loop3A_322, %parallel_loop3A_323, %parallel_loop3A_324], %parallel_loop3A_321 {strides = array<i32>} : memref<2x64x256xf32, #tpu.memory_space<vmem>>, vector<16xf32>,
        %parallel_loop3A_326 = arith.index_cast %rem3A_102 : i32 to index
        %parallel_loop3A_327 = arith.index_cast %parallel_loop3A_151 : i32 to index
        %parallel_loop3A_328 = arith.constant 80 : index
        %parallel_loop3A_329 = tpu.vector_load %arg10[%parallel_loop3A_326, %parallel_loop3A_327, %parallel_loop3A_328] {strides = array<i32>} : memref<4x64x128xf32, #tpu.memory_space<vmem>>, vector<16xf32>,
        %parallel_loop3A_330 = vector.bitcast %parallel_loop3A_329 : vector<16xf32> to vector<16xi32>
        %parallel_loop3A_331 = arith.constant 16 : i32
        %parallel_loop3A_332 = vector.broadcast %parallel_loop3A_331 : i32 to vector<16xi32>
        %parallel_loop3A_333 = arith.shli %parallel_loop3A_330, %parallel_loop3A_332 : vector<16xi32>
        %parallel_loop3A_334 = vector.bitcast %parallel_loop3A_333 : vector<16xi32> to vector<16xf32>
        %parallel_loop3A_335 = arith.constant -65536 : i32
        %parallel_loop3A_336 = vector.broadcast %parallel_loop3A_335 : i32 to vector<16xi32>
        %parallel_loop3A_337 = arith.andi %parallel_loop3A_330, %parallel_loop3A_336 : vector<16xi32>
        %parallel_loop3A_338 = vector.bitcast %parallel_loop3A_337 : vector<16xi32> to vector<16xf32>
        %parallel_loop3A_339 = arith.mulf %parallel_loop3A_160, %get3A_23 : vector<16xf32>
        %parallel_loop3A_340 = arith.addf %parallel_loop3A_334, %parallel_loop3A_339 : vector<16xf32>
        %parallel_loop3A_341 = arith.index_cast %parallel_loop3A_157 : i32 to index
        %parallel_loop3A_342 = arith.constant 160 : index
        %parallel_loop3A_343 = tpu.vector_load %arg12[%parallel_loop3A_341, %parallel_loop3A_342] {strides = array<i32>} : memref<200x256xf32, #tpu.memory_space<vmem>>, vector<16xf32>,
        %parallel_loop3A_344 = arith.addf %parallel_loop3A_340, %parallel_loop3A_343 : vector<16xf32>
        %parallel_loop3A_345 = arith.index_cast %rem3A_104 : i32 to index
        %parallel_loop3A_346 = arith.index_cast %parallel_loop3A_151 : i32 to index
        %parallel_loop3A_347 = arith.constant 160 : index
        %parallel_loop3A_348 = tpu.vector_load %arg11[%parallel_loop3A_345, %parallel_loop3A_346, %parallel_loop3A_347] {strides = array<i32>} : memref<2x64x256xf32, #tpu.memory_space<vmem>>, vector<16xf32>,
        tpu.vector_store %arg11[%parallel_loop3A_345, %parallel_loop3A_346, %parallel_loop3A_347], %parallel_loop3A_344 {strides = array<i32>} : memref<2x64x256xf32, #tpu.memory_space<vmem>>, vector<16xf32>,
        %parallel_loop3A_349 = arith.mulf %parallel_loop3A_160, %get3A_25 : vector<16xf32>
        %parallel_loop3A_350 = arith.addf %parallel_loop3A_338, %parallel_loop3A_349 : vector<16xf32>
        %parallel_loop3A_351 = arith.index_cast %parallel_loop3A_157 : i32 to index
        %parallel_loop3A_352 = arith.constant 176 : index
        %parallel_loop3A_353 = tpu.vector_load %arg12[%parallel_loop3A_351, %parallel_loop3A_352] {strides = array<i32>} : memref<200x256xf32, #tpu.memory_space<vmem>>, vector<16xf32>,
        %parallel_loop3A_354 = arith.addf %parallel_loop3A_350, %parallel_loop3A_353 : vector<16xf32>
        %parallel_loop3A_355 = arith.index_cast %rem3A_104 : i32 to index
        %parallel_loop3A_356 = arith.index_cast %parallel_loop3A_151 : i32 to index
        %parallel_loop3A_357 = arith.constant 176 : index
        %parallel_loop3A_358 = tpu.vector_load %arg11[%parallel_loop3A_355, %parallel_loop3A_356, %parallel_loop3A_357] {strides = array<i32>} : memref<2x64x256xf32, #tpu.memory_space<vmem>>, vector<16xf32>,
        tpu.vector_store %arg11[%parallel_loop3A_355, %parallel_loop3A_356, %parallel_loop3A_357], %parallel_loop3A_354 {strides = array<i32>} : memref<2x64x256xf32, #tpu.memory_space<vmem>>, vector<16xf32>,
        %parallel_loop3A_359 = arith.index_cast %rem3A_102 : i32 to index
        %parallel_loop3A_360 = arith.index_cast %parallel_loop3A_151 : i32 to index
        %parallel_loop3A_361 = arith.constant 96 : index
        %parallel_loop3A_362 = tpu.vector_load %arg10[%parallel_loop3A_359, %parallel_loop3A_360, %parallel_loop3A_361] {strides = array<i32>} : memref<4x64x128xf32, #tpu.memory_space<vmem>>, vector<16xf32>,
        %parallel_loop3A_363 = vector.bitcast %parallel_loop3A_362 : vector<16xf32> to vector<16xi32>
        %parallel_loop3A_364 = arith.constant 16 : i32
        %parallel_loop3A_365 = vector.broadcast %parallel_loop3A_364 : i32 to vector<16xi32>
        %parallel_loop3A_366 = arith.shli %parallel_loop3A_363, %parallel_loop3A_365 : vector<16xi32>
        %parallel_loop3A_367 = vector.bitcast %parallel_loop3A_366 : vector<16xi32> to vector<16xf32>
        %parallel_loop3A_368 = arith.constant -65536 : i32
        %parallel_loop3A_369 = vector.broadcast %parallel_loop3A_368 : i32 to vector<16xi32>
        %parallel_loop3A_370 = arith.andi %parallel_loop3A_363, %parallel_loop3A_369 : vector<16xi32>
        %parallel_loop3A_371 = vector.bitcast %parallel_loop3A_370 : vector<16xi32> to vector<16xf32>
        %parallel_loop3A_372 = arith.mulf %parallel_loop3A_160, %get3A_27 : vector<16xf32>
        %parallel_loop3A_373 = arith.addf %parallel_loop3A_367, %parallel_loop3A_372 : vector<16xf32>
        %parallel_loop3A_374 = arith.index_cast %parallel_loop3A_157 : i32 to index
        %parallel_loop3A_375 = arith.constant 192 : index
        %parallel_loop3A_376 = tpu.vector_load %arg12[%parallel_loop3A_374, %parallel_loop3A_375] {strides = array<i32>} : memref<200x256xf32, #tpu.memory_space<vmem>>, vector<16xf32>,
        %parallel_loop3A_377 = arith.addf %parallel_loop3A_373, %parallel_loop3A_376 : vector<16xf32>
        %parallel_loop3A_378 = arith.index_cast %rem3A_104 : i32 to index
        %parallel_loop3A_379 = arith.index_cast %parallel_loop3A_151 : i32 to index
        %parallel_loop3A_380 = arith.constant 192 : index
        %parallel_loop3A_381 = tpu.vector_load %arg11[%parallel_loop3A_378, %parallel_loop3A_379, %parallel_loop3A_380] {strides = array<i32>} : memref<2x64x256xf32, #tpu.memory_space<vmem>>, vector<16xf32>,
        tpu.vector_store %arg11[%parallel_loop3A_378, %parallel_loop3A_379, %parallel_loop3A_380], %parallel_loop3A_377 {strides = array<i32>} : memref<2x64x256xf32, #tpu.memory_space<vmem>>, vector<16xf32>,
        %parallel_loop3A_382 = arith.mulf %parallel_loop3A_160, %get3A_29 : vector<16xf32>
        %parallel_loop3A_383 = arith.addf %parallel_loop3A_371, %parallel_loop3A_382 : vector<16xf32>
        %parallel_loop3A_384 = arith.index_cast %parallel_loop3A_157 : i32 to index
        %parallel_loop3A_385 = arith.constant 208 : index
        %parallel_loop3A_386 = tpu.vector_load %arg12[%parallel_loop3A_384, %parallel_loop3A_385] {strides = array<i32>} : memref<200x256xf32, #tpu.memory_space<vmem>>, vector<16xf32>,
        %parallel_loop3A_387 = arith.addf %parallel_loop3A_383, %parallel_loop3A_386 : vector<16xf32>
        %parallel_loop3A_388 = arith.index_cast %rem3A_104 : i32 to index
        %parallel_loop3A_389 = arith.index_cast %parallel_loop3A_151 : i32 to index
        %parallel_loop3A_390 = arith.constant 208 : index
        %parallel_loop3A_391 = tpu.vector_load %arg11[%parallel_loop3A_388, %parallel_loop3A_389, %parallel_loop3A_390] {strides = array<i32>} : memref<2x64x256xf32, #tpu.memory_space<vmem>>, vector<16xf32>,
        tpu.vector_store %arg11[%parallel_loop3A_388, %parallel_loop3A_389, %parallel_loop3A_390], %parallel_loop3A_387 {strides = array<i32>} : memref<2x64x256xf32, #tpu.memory_space<vmem>>, vector<16xf32>,
        %parallel_loop3A_392 = arith.index_cast %rem3A_102 : i32 to index
        %parallel_loop3A_393 = arith.index_cast %parallel_loop3A_151 : i32 to index
        %parallel_loop3A_394 = arith.constant 112 : index
        %parallel_loop3A_395 = tpu.vector_load %arg10[%parallel_loop3A_392, %parallel_loop3A_393, %parallel_loop3A_394] {strides = array<i32>} : memref<4x64x128xf32, #tpu.memory_space<vmem>>, vector<16xf32>,
        %parallel_loop3A_396 = vector.bitcast %parallel_loop3A_395 : vector<16xf32> to vector<16xi32>
        %parallel_loop3A_397 = arith.constant 16 : i32
        %parallel_loop3A_398 = vector.broadcast %parallel_loop3A_397 : i32 to vector<16xi32>
        %parallel_loop3A_399 = arith.shli %parallel_loop3A_396, %parallel_loop3A_398 : vector<16xi32>
        %parallel_loop3A_400 = vector.bitcast %parallel_loop3A_399 : vector<16xi32> to vector<16xf32>
        %parallel_loop3A_401 = arith.constant -65536 : i32
        %parallel_loop3A_402 = vector.broadcast %parallel_loop3A_401 : i32 to vector<16xi32>
        %parallel_loop3A_403 = arith.andi %parallel_loop3A_396, %parallel_loop3A_402 : vector<16xi32>
        %parallel_loop3A_404 = vector.bitcast %parallel_loop3A_403 : vector<16xi32> to vector<16xf32>
        %parallel_loop3A_405 = arith.mulf %parallel_loop3A_160, %get3A_31 : vector<16xf32>
        %parallel_loop3A_406 = arith.addf %parallel_loop3A_400, %parallel_loop3A_405 : vector<16xf32>
        %parallel_loop3A_407 = arith.index_cast %parallel_loop3A_157 : i32 to index
        %parallel_loop3A_408 = arith.constant 224 : index
        %parallel_loop3A_409 = tpu.vector_load %arg12[%parallel_loop3A_407, %parallel_loop3A_408] {strides = array<i32>} : memref<200x256xf32, #tpu.memory_space<vmem>>, vector<16xf32>,
        %parallel_loop3A_410 = arith.addf %parallel_loop3A_406, %parallel_loop3A_409 : vector<16xf32>
        %parallel_loop3A_411 = arith.index_cast %rem3A_104 : i32 to index
        %parallel_loop3A_412 = arith.index_cast %parallel_loop3A_151 : i32 to index
        %parallel_loop3A_413 = arith.constant 224 : index
        %parallel_loop3A_414 = tpu.vector_load %arg11[%parallel_loop3A_411, %parallel_loop3A_412, %parallel_loop3A_413] {strides = array<i32>} : memref<2x64x256xf32, #tpu.memory_space<vmem>>, vector<16xf32>,
        tpu.vector_store %arg11[%parallel_loop3A_411, %parallel_loop3A_412, %parallel_loop3A_413], %parallel_loop3A_410 {strides = array<i32>} : memref<2x64x256xf32, #tpu.memory_space<vmem>>, vector<16xf32>,
        %parallel_loop3A_415 = arith.mulf %parallel_loop3A_160, %get3A_33 : vector<16xf32>
        %parallel_loop3A_416 = arith.addf %parallel_loop3A_404, %parallel_loop3A_415 : vector<16xf32>
        %parallel_loop3A_417 = arith.index_cast %parallel_loop3A_157 : i32 to index
        %parallel_loop3A_418 = arith.constant 240 : index
        %parallel_loop3A_419 = tpu.vector_load %arg12[%parallel_loop3A_417, %parallel_loop3A_418] {strides = array<i32>} : memref<200x256xf32, #tpu.memory_space<vmem>>, vector<16xf32>,
        %parallel_loop3A_420 = arith.addf %parallel_loop3A_416, %parallel_loop3A_419 : vector<16xf32>
        %parallel_loop3A_421 = arith.index_cast %rem3A_104 : i32 to index
        %parallel_loop3A_422 = arith.index_cast %parallel_loop3A_151 : i32 to index
        %parallel_loop3A_423 = arith.constant 240 : index
        %parallel_loop3A_424 = tpu.vector_load %arg11[%parallel_loop3A_421, %parallel_loop3A_422, %parallel_loop3A_423] {strides = array<i32>} : memref<2x64x256xf32, #tpu.memory_space<vmem>>, vector<16xf32>,
        tpu.vector_store %arg11[%parallel_loop3A_421, %parallel_loop3A_422, %parallel_loop3A_423], %parallel_loop3A_420 {strides = array<i32>} : memref<2x64x256xf32, #tpu.memory_space<vmem>>, vector<16xf32>,
      } {sc.loop_unroll_factor = 2 : i64, sc.parallel_access}
      %dma_start3A_132 = arith.constant 0 : i32
      %dma_start3A_133 = arith.constant 0 : i32
      %dma_start3A_134 = tpu.memref_slice %arg11[%rem3A_104, %dma_start3A_132, %dma_start3A_133] : memref<2x64x256xf32, #tpu.memory_space<vmem>> -> memref<1x64x256xf32, #tpu.memory_space<vmem>>
      %dma_start3A_135 = tpu.memref_squeeze %dma_start3A_134 : memref<1x64x256xf32, #tpu.memory_space<vmem>> -> memref<64x256xf32, #tpu.memory_space<vmem>>
      %dma_start3A_136 = arith.constant 0 : i32
      %dma_start3A_137 = tpu.memref_slice %arg7[%add3A_107, %dma_start3A_136] : memref<204800x256xf32, #tpu.memory_space<hbm>> -> memref<64x256xf32, #tpu.memory_space<hbm>>
      %dma_start3A_138 = tpu.memref_slice %arg15[%rem3A_104] : memref<2x!tpu.dma_semaphore, #tpu.memory_space<semaphore_mem>> -> memref<1x!tpu.dma_semaphore, #tpu.memory_space<semaphore_mem>>
      %dma_start3A_139 = tpu.memref_squeeze %dma_start3A_138 : memref<1x!tpu.dma_semaphore, #tpu.memory_space<semaphore_mem>> -> memref<!tpu.dma_semaphore, #tpu.memory_space<semaphore_mem>>
      %dma_start3A_140 = arith.constant 0 : i32
      %dma_start3A_141 = tpu.memref_slice %arg7[%add3A_107, %dma_start3A_140] : memref<204800x256xf32, #tpu.memory_space<hbm>> -> memref<64x256xf32, #tpu.memory_space<hbm>>
      %dma_start3A_142 = arith.constant 0 : i32
      %dma_start3A_143 = arith.constant 0 : i32
      %dma_start3A_144 = tpu.memref_slice %arg11[%rem3A_104, %dma_start3A_142, %dma_start3A_143] : memref<2x64x256xf32, #tpu.memory_space<vmem>> -> memref<1x64x256xf32, #tpu.memory_space<vmem>>
      %dma_start3A_145 = tpu.memref_squeeze %dma_start3A_144 : memref<1x64x256xf32, #tpu.memory_space<vmem>> -> memref<64x256xf32, #tpu.memory_space<vmem>>
      tpu.enqueue_dma source(%dma_start3A_145 : memref<64x256xf32, #tpu.memory_space<vmem>>) target(%dma_start3A_141 : memref<64x256xf32, #tpu.memory_space<hbm>>) target_semaphore(%dma_start3A_139 : memref<!tpu.dma_semaphore, #tpu.memory_space<semaphore_mem>>)
      %add3A_146 = arith.constant 64 : i32
      %add3A_147 = arith.addi %scan3A_101, %add3A_146 : i32
      %ge3A_148 = arith.constant 200 : i32
      %ge3A_149 = arith.cmpi sge, %add3A_147, %ge3A_148 : i32
      %sub3A = arith.constant 200 : i32
      %sub3A_150 = arith.subi %add3A_147, %sub3A : i32
      %select_n3A = arith.select %ge3A_149, %sub3A_150, %add3A_147 : i32
      scf.yield %select_n3A : i32
    }
    %scan3A_64 = arith.constant 100 : i32
    %dma_wait3A = arith.constant 0 : i32
    %dma_wait3A_65 = arith.constant 0 : i32
    %dma_wait3A_66 = arith.constant 0 : i32
    %dma_wait3A_67 = arith.constant 0 : i32
    %dma_wait3A_68 = tpu.memref_slice %arg11[%dma_wait3A, %dma_wait3A_66, %dma_wait3A_67] : memref<2x64x256xf32, #tpu.memory_space<vmem>> -> memref<1x64x256xf32, #tpu.memory_space<vmem>>
    %dma_wait3A_69 = tpu.memref_squeeze %dma_wait3A_68 : memref<1x64x256xf32, #tpu.memory_space<vmem>> -> memref<64x256xf32, #tpu.memory_space<vmem>>
    %dma_wait3A_70 = arith.constant 0 : i32
    %dma_wait3A_71 = arith.constant 0 : i32
    %dma_wait3A_72 = tpu.memref_slice %arg7[%dma_wait3A_70, %dma_wait3A_71] : memref<204800x256xf32, #tpu.memory_space<hbm>> -> memref<64x256xf32, #tpu.memory_space<hbm>>
    %dma_wait3A_73 = tpu.memref_slice %arg15[%dma_wait3A_65] : memref<2x!tpu.dma_semaphore, #tpu.memory_space<semaphore_mem>> -> memref<1x!tpu.dma_semaphore, #tpu.memory_space<semaphore_mem>>
    %dma_wait3A_74 = tpu.memref_squeeze %dma_wait3A_73 : memref<1x!tpu.dma_semaphore, #tpu.memory_space<semaphore_mem>> -> memref<!tpu.dma_semaphore, #tpu.memory_space<semaphore_mem>>
    %dma_wait3A_75 = arith.constant 0 : i32
    %dma_wait3A_76 = arith.constant 0 : i32
    %dma_wait3A_77 = tpu.memref_slice %arg7[%dma_wait3A_75, %dma_wait3A_76] : memref<204800x256xf32, #tpu.memory_space<hbm>> -> memref<64x256xf32, #tpu.memory_space<hbm>>
    %dma_wait3A_78 = arith.constant 0 : i32
    %dma_wait3A_79 = arith.constant 0 : i32
    %dma_wait3A_80 = tpu.memref_slice %arg11[%dma_wait3A, %dma_wait3A_78, %dma_wait3A_79] : memref<2x64x256xf32, #tpu.memory_space<vmem>> -> memref<1x64x256xf32, #tpu.memory_space<vmem>>
    %dma_wait3A_81 = tpu.memref_squeeze %dma_wait3A_80 : memref<1x64x256xf32, #tpu.memory_space<vmem>> -> memref<64x256xf32, #tpu.memory_space<vmem>>
    tpu.wait_dma2 semaphore(%dma_wait3A_74 : memref<!tpu.dma_semaphore, #tpu.memory_space<semaphore_mem>>) src(%dma_wait3A_81 : memref<64x256xf32, #tpu.memory_space<vmem>>) dst(%dma_wait3A_77 : memref<64x256xf32, #tpu.memory_space<hbm>>)
    %dma_wait3A_82 = arith.constant 1 : i32
    %dma_wait3A_83 = arith.constant 1 : i32
    %dma_wait3A_84 = arith.constant 0 : i32
    %dma_wait3A_85 = arith.constant 0 : i32
    %dma_wait3A_86 = tpu.memref_slice %arg11[%dma_wait3A_82, %dma_wait3A_84, %dma_wait3A_85] : memref<2x64x256xf32, #tpu.memory_space<vmem>> -> memref<1x64x256xf32, #tpu.memory_space<vmem>>
    %dma_wait3A_87 = tpu.memref_squeeze %dma_wait3A_86 : memref<1x64x256xf32, #tpu.memory_space<vmem>> -> memref<64x256xf32, #tpu.memory_space<vmem>>
    %dma_wait3A_88 = arith.constant 0 : i32
    %dma_wait3A_89 = arith.constant 0 : i32
    %dma_wait3A_90 = tpu.memref_slice %arg7[%dma_wait3A_88, %dma_wait3A_89] : memref<204800x256xf32, #tpu.memory_space<hbm>> -> memref<64x256xf32, #tpu.memory_space<hbm>>
    %dma_wait3A_91 = tpu.memref_slice %arg15[%dma_wait3A_83] : memref<2x!tpu.dma_semaphore, #tpu.memory_space<semaphore_mem>> -> memref<1x!tpu.dma_semaphore, #tpu.memory_space<semaphore_mem>>
    %dma_wait3A_92 = tpu.memref_squeeze %dma_wait3A_91 : memref<1x!tpu.dma_semaphore, #tpu.memory_space<semaphore_mem>> -> memref<!tpu.dma_semaphore, #tpu.memory_space<semaphore_mem>>
    %dma_wait3A_93 = arith.constant 0 : i32
    %dma_wait3A_94 = arith.constant 0 : i32
    %dma_wait3A_95 = tpu.memref_slice %arg7[%dma_wait3A_93, %dma_wait3A_94] : memref<204800x256xf32, #tpu.memory_space<hbm>> -> memref<64x256xf32, #tpu.memory_space<hbm>>
    %dma_wait3A_96 = arith.constant 0 : i32
    %dma_wait3A_97 = arith.constant 0 : i32
    %dma_wait3A_98 = tpu.memref_slice %arg11[%dma_wait3A_82, %dma_wait3A_96, %dma_wait3A_97] : memref<2x64x256xf32, #tpu.memory_space<vmem>> -> memref<1x64x256xf32, #tpu.memory_space<vmem>>
    %dma_wait3A_99 = tpu.memref_squeeze %dma_wait3A_98 : memref<1x64x256xf32, #tpu.memory_space<vmem>> -> memref<64x256xf32, #tpu.memory_space<vmem>>
    tpu.wait_dma2 semaphore(%dma_wait3A_92 : memref<!tpu.dma_semaphore, #tpu.memory_space<semaphore_mem>>) src(%dma_wait3A_99 : memref<64x256xf32, #tpu.memory_space<vmem>>) dst(%dma_wait3A_95 : memref<64x256xf32, #tpu.memory_space<hbm>>)
    return
  }
}

module attributes {stable_mosaic.version = 14 : i64} {
  func.func @_prep_body(%arg0: memref<1000x128xf32, #tpu.memory_space<vmem>>, %arg1: memref<1x128xf32, #tpu.memory_space<vmem>>, %arg2: memref<128xf32, #tpu.memory_space<vmem>>, %arg3: memref<256x256xf32, #tpu.memory_space<vmem>>, %arg4: memref<256xf32, #tpu.memory_space<vmem>>, %arg5: memref<200x256xf32, #tpu.memory_space<vmem>>, %arg6: memref<1000x256xf32, #tpu.memory_space<vmem>>, %arg7: memref<1x256xf32, #tpu.memory_space<vmem>>, %arg8: memref<200x256xf32, #tpu.memory_space<vmem>>) attributes {dimension_semantics = [], scalar_prefetch = 0 : i64, scratch_operands = 0 : i64, tpu.core_type = #tpu.core_type<tc>} {
    %get3A = arith.constant 0 : index
    %get3A_0 = arith.constant 0 : index
    %get3A_1 = vector.load %arg3[%get3A, %get3A_0] : memref<256x256xf32, #tpu.memory_space<vmem>>, vector<128x256xf32>
    %get3A_2 = arith.constant 128 : index
    %get3A_3 = arith.constant 0 : index
    %get3A_4 = vector.load %arg3[%get3A_2, %get3A_3] : memref<256x256xf32, #tpu.memory_space<vmem>>, vector<128x256xf32>
    %get3A_5 = arith.constant 0 : index
    %get3A_6 = arith.constant 0 : index
    %get3A_7 = vector.load %arg0[%get3A_5, %get3A_6] : memref<1000x128xf32, #tpu.memory_space<vmem>>, vector<1000x128xf32>
    %dot_general3A = arith.constant dense<0.000000e+00> : vector<1000x256xf32>
    %dot_general3A_8 = tpu.matmul %get3A_7, %get3A_1, %dot_general3A {dimension_numbers = #tpu.dot_dimension_numbers<[1], [0], [0], [1], [0, 0, 1, 1], [], []>, transpose_lhs_hint = false} : vector<1000x128xf32>, vector<128x256xf32>, vector<1000x256xf32> -> vector<1000x256xf32>
    %swap3A = arith.constant 0 : index
    %swap3A_9 = arith.constant 0 : index
    %swap3A_10 = vector.load %arg6[%swap3A, %swap3A_9] : memref<1000x256xf32, #tpu.memory_space<vmem>>, vector<1000x256xf32>
    tpu.vector_store %arg6[%swap3A, %swap3A_9], %dot_general3A_8 {strides = array<i32>} : memref<1000x256xf32, #tpu.memory_space<vmem>>, vector<1000x256xf32>,
    %get3A_11 = arith.constant 0 : index
    %get3A_12 = arith.constant 0 : index
    %get3A_13 = vector.load %arg1[%get3A_11, %get3A_12] : memref<1x128xf32, #tpu.memory_space<vmem>>, vector<1x128xf32>
    %dot_general3A_14 = arith.constant dense<0.000000e+00> : vector<1x256xf32>
    %dot_general3A_15 = tpu.matmul %get3A_13, %get3A_4, %dot_general3A_14 {dimension_numbers = #tpu.dot_dimension_numbers<[1], [0], [0], [1], [0, 0, 1, 1], [], []>, transpose_lhs_hint = false} : vector<1x128xf32>, vector<128x256xf32>, vector<1x256xf32> -> vector<1x256xf32>
    %mul3A = arith.constant 1.000000e+01 : f32
    %mul3A_16 = vector.broadcast %mul3A : f32 to vector<1x256xf32>
    %mul3A_17 = arith.mulf %dot_general3A_15, %mul3A_16 : vector<1x256xf32>
    %swap3A_18 = arith.constant 0 : index
    %swap3A_19 = arith.constant 0 : index
    %swap3A_20 = vector.load %arg7[%swap3A_18, %swap3A_19] : memref<1x256xf32, #tpu.memory_space<vmem>>, vector<1x256xf32>
    tpu.vector_store %arg7[%swap3A_18, %swap3A_19], %mul3A_17 {strides = array<i32>} : memref<1x256xf32, #tpu.memory_space<vmem>>, vector<1x256xf32>,
    %get3A_21 = arith.constant 0 : index
    %get3A_22 = vector.load %arg2[%get3A_21] : memref<128xf32, #tpu.memory_space<vmem>>, vector<128xf32>
    %reshape3A = vector.shape_cast %get3A_22 : vector<128xf32> to vector<1x128xf32>
    %dot_general3A_23 = arith.constant dense<0.000000e+00> : vector<1x256xf32>
    %dot_general3A_24 = tpu.matmul %reshape3A, %get3A_4, %dot_general3A_23 {dimension_numbers = #tpu.dot_dimension_numbers<[1], [0], [0], [1], [0, 0, 1, 1], [], []>, transpose_lhs_hint = false} : vector<1x128xf32>, vector<128x256xf32>, vector<1x256xf32> -> vector<1x256xf32>
    %get3A_25 = arith.constant 0 : index
    %get3A_26 = arith.constant 0 : index
    %get3A_27 = vector.load %arg5[%get3A_25, %get3A_26] : memref<200x256xf32, #tpu.memory_space<vmem>>, vector<200x256xf32>
    %add3A = vector.broadcast %dot_general3A_24 : vector<1x256xf32> to vector<200x256xf32>
    %add3A_28 = arith.addf %get3A_27, %add3A : vector<200x256xf32>
    %get3A_29 = arith.constant 0 : index
    %get3A_30 = vector.load %arg4[%get3A_29] : memref<256xf32, #tpu.memory_space<vmem>>, vector<256xf32>
    %reshape3A_31 = vector.shape_cast %get3A_30 : vector<256xf32> to vector<1x256xf32>
    %add3A_32 = vector.broadcast %reshape3A_31 : vector<1x256xf32> to vector<200x256xf32>
    %add3A_33 = arith.addf %add3A_28, %add3A_32 : vector<200x256xf32>
    %swap3A_34 = arith.constant 0 : index
    %swap3A_35 = arith.constant 0 : index
    %swap3A_36 = vector.load %arg8[%swap3A_34, %swap3A_35] : memref<200x256xf32, #tpu.memory_space<vmem>>, vector<200x256xf32>
    tpu.vector_store %arg8[%swap3A_34, %swap3A_35], %add3A_33 {strides = array<i32>} : memref<200x256xf32, #tpu.memory_space<vmem>>, vector<200x256xf32>,
    return
  }
}

</mosaic_0001>

<sc_bundles>
// kernel: kernel.4.cloned.1.call-start
scs
__scs_entry_jumppad:
0x0: {  	(pc) =	sbr.rel $0x88, $3  }
0x1: {  	(tag) =	ssettag $0x0;
	lr =	simm.s32 $0x1  }
0x2: {  	[smem:$0x3F9A] =	sst lr;
	_ =	strace $0xD0000000  }
0x3: {  	_ = 	snop  }
0x4: {  	_ = 	snop  }
0x5: {  	_ = 	snop  }
0x6: {  	_ = 	snop  }
0x7: {  	_ = 	snop  }
__scs_overlays_trampoline_lowered:
0x8: {  	[smem:$0x3FA9] =	sst s0  }
0x9: {  	[smem:$0x3FAA] =	sst s1  }
0xa: {  	[smem:$0x3FAB] =	sst s2  }
0xb: {  	[smem:$0x3FAC] =	sst s3  }
0xc: {  	[smem:$0x3FAD] =	sst s4  }
0xd: {  	[smem:$0x3FAE] =	sst s5  }
0xe: {  	[smem:$0x3FAF] =	sst s6  }
0xf: {  	[smem:$0x3FB0] =	sst s7  }
0x10: {  	[smem:$0x3FB1] =	sst s8  }
0x11: {  	[smem:$0x3FB2] =	sst s9;
	s0 =	simm.s32 @!p0 $0x0  }
0x12: {  	s1 =	sld [smem:$0x3F98];
	s0 =	simm.s32 @p0 $0x1  }
0x13: {  	[smem:$0x3FB3] =	sst s0;
	s0 =	simm.s32 @!p1 $0x0  }
0x14: {  	s2 =	sld [smem:$0x3F97];
	s0 =	simm.s32 @p1 $0x1  }
0x15: {  	[smem:$0x3FB4] =	sst s0;
	s0 =	simm.s32 @!p2 $0x0  }
0x16: {  	s3 =	sld [smem:$0x3FDB];
	s0 =	simm.s32 @p2 $0x1  }
0x17: {  	s4 =	simm.s32 $0x1BF5;
	[smem:$0x3FB6] =	sst s0  }
0x18: {  	s0 =	sld [smem:$0x3F99];
	_ =	swait.ge [sflag:s4], $0x0  }
0x19: {  	s7 =	sld [smem:$0x3F9A]  }
0x1a: {  	s8 =	sadd.s32 $0xFFFFE003, lr  }
0x1b: {  	s9 =	sadd.s32 $0xFFFFFEF7, lr;
	s5 =	simm.s32 $0xFFFFFFFF;
	p2 =	slt.u32 s8, $0xFFFFF086  }
0x1c: {  	p1 =	slt.u32 s9, $0xF7A;
	s5 =	simm.s32 @!p2 $0x0  }
0x1d: {  	s5 =	simm.s32 @p1 $0x1;
	p0 =	seq.s32 s7, s2  }
0x1e: {  	s7 =	smul.u32 @!p0 $0xF7A, s2;
	p2 =	seq.s32 @!p0 s5, $0x0  }
0x1f: {  	s9 =	smul.u32 $0xF7A, s1;
	s8 =	simm.s32 @!p0 $0x1BF5;
	p2 =	por !p2, p0  }
0x20: {  	[sflag:s8] =	ssyncset.s32 @!p0 $0xFFFFF086;
	s6 =	sadd.s32 @!p0 s3, s7;
	s7 =	simm.s32 @!p0 $0x108  }
0x21: {  	s3 =	sadd.s32 s3, s9;
	s6 =	sadd.s32 @!p0 $0x88, s6;
	s7 =	simm.s32 @p2 $0x1082  }
0x22: {  	[simem:s7], [sflag:s8] =	dma.local @!p0 [hbm:s6], $0xF7A  }
0x23: {  	s9 =	sor.u32 $0xD0000000, s2;
	s6 =	simm.s32 $0x108;
	_ =	swait.ge @!p0 [sflag:s8], $0x0  }
0x24: {  	s3 =	sadd.s32 $0x88, s3;
	s6 =	simm.s32 @!p1 $0x1082;
	[sflag:s4] =	ssyncset.s32 $0xFFFFF086  }
0x25: {  	[simem:s6], [sflag:s4] =	dma.local [hbm:s3], $0xF7A  }
0x26: {  	[smem:$0x3F9A] =	sst s1;
	(tag) =	ssettag s2;
	_ =	strace s9  }
0x27: {  	s1 =	sld [smem:$0x3FAA]  }
0x28: {  	s2 =	sld [smem:$0x3FAB]  }
0x29: {  	s4 =	sld [smem:$0x3FAD]  }
0x2a: {  	p0 =	seq.s32 s5, $0x0;
	s5 =	sld [smem:$0x3FAE]  }
0x2b: {  	s6 =	sld [smem:$0x3FAF]  }
0x2c: {  	s7 =	sld [smem:$0x3FB0]  }
0x2d: {  	s3 =	simm.s32 $0x108;
	s8 =	sld [smem:$0x3FB1]  }
0x2e: {  	s3 =	simm.s32 @!p0 $0x1082;
	s9 =	sld [smem:$0x3FB2]  }
0x2f: {  	lr =	sadd.s32 s0, s3;
	s0 =	sld [smem:$0x3FA9]  }
0x30: {  	s3 =	sld [smem:$0x3FAC]  }
0x31: {  	[smem:$0x3FB5] =	sst s10  }
0x32: {  	s10 =	sld [smem:$0x3FB3];
	_ =	sdelay $0x3  }
0x33: {  	p0 =	seq.s32 s10, $0x1;
	s10 =	sld [smem:$0x3FB5];
	_ =	sdelay $0x3  }
0x34: {  	[smem:$0x3FB5] =	sst s10  }
0x35: {  	s10 =	sld [smem:$0x3FB4];
	_ =	sdelay $0x3  }
0x36: {  	p1 =	seq.s32 s10, $0x1;
	s10 =	sld [smem:$0x3FB5];
	_ =	sdelay $0x3  }
0x37: {  	[smem:$0x3FB5] =	sst s10  }
0x38: {  	s10 =	sld [smem:$0x3FB6]  }
0x39: {  	_ = 	snop;
	(pc) =	sbr.ind lr, $3  }
0x3a: {  	_ = 	snop  }
0x3b: {  	_ = 	snop  }
0x3c: {  	p2 =	seq.s32 s10, $0x1;
	s10 =	sld [smem:$0x3FB5]  }
0x3d: {  	_ =	shalt  }
0x3e: {  	_ =	shalt  }
0x3f: {  	_ =	shalt  }
0x40: {  	_ =	shalt  }
0x41: {  	_ =	shalt  }
0x42: {  	_ =	shalt  }
0x43: {  	_ =	shalt  }
0x44: {  	_ =	shalt  }
0x45: {  	_ =	shalt  }
0x46: {  	_ =	shalt  }
0x47: {  	_ =	shalt  }
0x48: {  	_ =	shalt  }
0x49: {  	_ =	shalt  }
0x4a: {  	_ =	shalt  }
0x4b: {  	_ =	shalt  }
0x4c: {  	_ =	shalt  }
0x4d: {  	_ =	shalt  }
0x4e: {  	_ =	shalt  }
0x4f: {  	_ =	shalt  }
0x50: {  	_ =	shalt  }
0x51: {  	_ =	shalt  }
0x52: {  	_ =	shalt  }
0x53: {  	_ =	shalt  }
0x54: {  	_ =	shalt  }
0x55: {  	_ =	shalt  }
0x56: {  	_ =	shalt  }
0x57: {  	_ =	shalt  }
0x58: {  	_ =	shalt  }
0x59: {  	_ =	shalt  }
0x5a: {  	_ =	shalt  }
0x5b: {  	_ =	shalt  }
0x5c: {  	_ =	shalt  }
0x5d: {  	_ =	shalt  }
0x5e: {  	_ =	shalt  }
0x5f: {  	_ =	shalt  }
0x60: {  	_ =	shalt  }
0x61: {  	_ =	shalt  }
0x62: {  	_ =	shalt  }
0x63: {  	_ =	shalt  }
0x64: {  	_ =	shalt  }
0x65: {  	_ =	shalt  }
0x66: {  	_ =	shalt  }
0x67: {  	_ =	shalt  }
0x68: {  	_ =	shalt  }
0x69: {  	_ =	shalt  }
0x6a: {  	_ =	shalt  }
0x6b: {  	_ =	shalt  }
0x6c: {  	_ =	shalt  }
0x6d: {  	_ =	shalt  }
0x6e: {  	_ =	shalt  }
0x6f: {  	_ =	shalt  }
0x70: {  	_ =	shalt  }
0x71: {  	_ =	shalt  }
0x72: {  	_ =	shalt  }
0x73: {  	_ =	shalt  }
0x74: {  	_ =	shalt  }
0x75: {  	_ =	shalt  }
0x76: {  	_ =	shalt  }
0x77: {  	_ =	shalt  }
0x78: {  	_ =	shalt  }
0x79: {  	_ =	shalt  }
0x7a: {  	_ =	shalt  }
0x7b: {  	_ =	shalt  }
0x7c: {  	_ =	shalt  }
0x7d: {  	_ =	shalt  }
0x7e: {  	_ =	shalt  }
0x7f: {  	_ =	shalt  }
0x80: {  	_ =	shalt  }
0x81: {  	_ =	shalt  }
0x82: {  	_ =	shalt  }
0x83: {  	_ =	shalt  }
0x84: {  	_ =	shalt  }
0x85: {  	_ =	shalt  }
0x86: {  	_ =	shalt  }
0x87: {  	_ =	shalt  }
.Lfunc_end0:
.L_simem_size_0:
called_computation_lowered:
.L_overlay_start_0:
0x88: {  	s2 =	sld [smem:$0x3FD9]  }
0x89: {  	s3 =	sld [smem:$0x3FFE];
	_ =	sdelay $0x1  }
0x8a: {  	s1 =	srdreg.scid  }
0x8b: {  	s0 =	sand.u32 $0x1, s1  }
0x8c: {  	s17 =	sshll.u32 s0, $0xA;
	s2 =	sadd.s32 s3, s2  }
0x8d: {  	s2 =	sadd.s32 s2, s17  }
0x8e: {  	[smem:$0x3FC1] =	sst s2  }
0x8f: {  	_ = 	snop  }
0x90: {  	s2 =	sld [smem:$0x3FD0];
	(tm) =	ssettm $0x1  }
0x91: {  	s18 =	sld [smem:$0x3FFB];
	_ =	sdelay $0x3  }
0x92: {  	_ =	strace s18  }
0x93: {  	s3 =	sld [smem:$0x3FFC];
	_ =	sdelay $0x3  }
0x94: {  	_ =	strace s3  }
0x95: {  	s3 =	sld [smem:$0x3FFD];
	_ =	sdelay $0x3  }
0x96: {  	_ =	strace s3  }
0x97: {  	_ =	strace $0x8FFFFFFF  }
0x98: {  	s19 =	sld [smem:$0x3FDB];
	_ =	sdelay $0x1  }
0x99: {  	s4 =	simm.s32 $_scs_section_size  }
0x9a: {  	s5 =	simm.s32 $_size__tile_overlayer_lowered;
	s6 =	simm.s32 $_tile_overlayer_lowered  }
0x9b: {  	s22 =	simm.s32 $0x1BFF;
	s21 =	sshll.u32 s6, $0x1;
	s3 =	sadd.s32 s4, s19  }
0x9c: {  	s7 =	simm.s32 $0x0;
	s20 =	sshll.u32 s5, $0x1;
	s5 =	sadd.s32 s21, s3  }
0x9d: {  	[timem:s7], [sflag:s22] =	dma.local [hbm:s5], s20  }
0x9e: {  	_ =	swait.ge [sflag:s22], s20  }
0x9f: {  	s4 =	ssub.s32 $0x0, s20;
	[sflag:s22] =	ssyncset.done $0x0  }
0xa0: {  	[sflag:s22] =	ssyncadd.s32 s4;
	_ =	sdelay $0x1  }
0xa1: {  	s23 =	simm.s32 $0x1B8B  }
0xa2: {  	_ =	swait.ge [sflag:s23], $0x1  }
0xa3: {  	[sflag:s23] =	ssyncset.done $0x0  }
0xa4: {  	s25 =	simm.s32 $0x1B8E;
	s24 =	sld [smem:$0x3FFE];
	[sflag:s23] =	ssyncadd.s32 $0xFFFFFFFF  }
0xa5: {  	s26 =	simm.s32 $execute0_lowered;
	[smem:$0x3FD2] =	sst s25  }
0xa6: {  	s5 =	sshll.u32 s26, $0x1;
	_ =	strace $0x80000046;
	[dreg:$0x1] =	wrdreg $0xFFFFFFFF  }
0xa7: {  	s28 =	simm.s32 $_size_execute0_lowered;
	s3 =	sadd.s32 s3, s5;
	[dreg:$0x0] =	wrdreg $0x0  }
0xa8: {  	s5 =	sshll.u32 s28, $0x1;
	[dreg:$0x2] =	wrdreg s3  }
0xa9: {  	[dreg:$0x3] =	wrdreg s5  }
0xaa: {  	[dreg:$0x4] =	wrdreg $0xC0  }
0xab: {  	_ =	task [dreg:s7], $0x5FFFF  }
0xac: {  	[dreg:$0x1] =	wrdreg $0xFFFFFFFF  }
0xad: {  	[dreg:$0x0] =	wrdreg $0x60  }
0xae: {  	[dreg:$0x2] =	wrdreg s24  }
0xaf: {  	[dreg:$0x3] =	wrdreg s2  }
0xb0: {  	[dreg:$0x4] =	wrdreg $0x9  }
0xb1: {  	_ =	task.clear_ibuf [dreg:s7], $0x5FFFF;
	_ =	strace $0x90000046  }
0xb2: {  	s29 =	simm.s32 $0x9;
	_ =	strace $0x80000048  }
0xb3: {  	_ =	swait.ge [sflag:s29], $0x1  }
0xb4: {  	[sflag:s29] =	ssyncadd.s32 $0xFFFFFFFF  }
0xb5: {  	_ =	strace $0x90000048  }
0xb6: {  	_ =	sfence  }
0xb7: {  	s30 =	sld [smem:$0x0];
	_ =	sdelay $0x2  }
0xb8: {  	s31 =	sshll.u32 s1, $0xD;
	s1 =	sshrl.u32 s1, $0x2  }
0xb9: {  	s3 =	sand.u32 $0x4000, s31;
	s1 =	sadd.s32 s1, s30  }
0xba: {  	s0 =	sor.u32 s3, s0;
	s1 =	sshll.u32 s1, $0x11  }
0xbb: {  	s0 =	sor.u32 s1, s0  }
0xbc: {  	s0 =	sadd.s32 $0x8F2B, s0  }
0xbd: {  	[sflag:s0] =	ssyncadd.remote.s32 $0x1  }
0xbe: {  	_ =	sfence.sel $0xFFFF  }
0xbf: {  	[dreg:$0x0] =	wrdreg $0xFFFFFFFF;
	(pc) =	sbr.abs _section_cstart, $3  }
0xc0: {  	[dreg:$0x1] =	wrdreg $0xFFFFFFFF  }
0xc1: {  	_ =	task.clear_ibuf [dreg:s7], $0x2FFFF;
	_ =	strace $0x9FFFFFFF  }
0xc2: {  	(tm) =	ssettm $0x7FFFFFFF  }
0xc3: {  	_ =	shalt  }
tec
execute0_lowered:
.L_overlay_start_1:
0x0: {  	(tag) =	ssettag $0x1  }
0x1: {  	s0 =	srdreg.scid;
	s1 =	stileid.u32  }
0x2: {  	s0 =	sand.u32 $0x1, s0;
	s1 =	sshll.u32 s1, $0x1  }
0x3: {  	s1 =	sor.u32 s0, s1  }
0x4: {  	s2 =	rddreg [dreg:$0x0];
	s3 =	simm.s32 $0x0;
	s1 =	smul.u32 $0x1900, s1  }
0x5: {  	[smem:$0x7FF] =	sst s3;
	s28 =	sadd.s32 $0x3000, s2;
	s0 =	ssub.s32 $0x2, s0  }
0x6: {  	s29 =	sadd.s32 $0x2E00, s2;
	s30 =	sshrl.u32 s0, $0x1;
	[dreg:$0x3] =	wrdreg s1  }
0x7: {  	s0 =	ssub.s32 s0, s30;
	_ =	strace $0x80000047;
	[dreg:$0x4] =	wrdreg s28  }
0x8: {  	s1 =	sshrl.u32 s1, $0x3;
	s0 =	smax.u32 s0, $0x1;
	[dreg:$0x5] =	wrdreg s29  }
0x9: {  	s1 =	sadd.s32 s1, s2;
	s2 =	sadd.s32 $0x1400, s2;
	[dreg:$0x9] =	wrdreg s0  }
0xa: {  	[dreg:$0x6] =	wrdreg s2;
	s31 =	sadd.s32 $0xD400, s1  }
0xb: {  	s1 =	sadd.s32 $0x7000, s1;
	[dreg:$0x7] =	wrdreg s31  }
0xc: {  	s14 =	simm.s32 $0x1900;
	s2 =	simm.s32 $0x0;
	[dreg:$0x8] =	wrdreg s1  }
.LBB2_1:
0xd: {  	[dreg:$0xa] =	wrdreg s2;
	s0 =	simm.s32 $0x0  }
0xe: {  	s1 =	rddreg [dreg:$0x5];
	s22 =	simm.s32 $0x1FA00;
	s23 =	simm.s32 $0x7  }
0xf: {  	[tilespmem:s22], [sflag:$0x7] =	stream.linear.gather [hbm4b:s1+s0], $0x100, $0x38;
	[tilespmem:$0x1FB00] =	vst v63  }
0x10: {  	_ =	swait.ge [sflag:s23], $0x100  }
0x11: {  	[sflag:s23] =	ssyncset.done $0x0  }
0x12: {  	s3 =	simm.s32 $0x13200;
	s24 =	rddreg [dreg:$0x6];
	[sflag:s23] =	ssyncadd.s32 $0xFFFFFF00  }
0x13: {  	[tilespmem:s3], [sflag:$0x7] =	stream.linear.gather [hbm4b:s24+s0], $0xC800, $0x38;
	[tilespmem:$0x1FB00] =	vst v63  }
0x14: {  	_ =	swait.ge [sflag:s23], $0xC800  }
0x15: {  	[sflag:s23] =	ssyncset.done $0x0  }
0x16: {  	s25 =	rddreg [dreg:$0x7];
	[sflag:s23] =	ssyncadd.s32 $0xFFFF3800  }
0x17: {  	[tilespmem:s0], [sflag:$0x7] =	stream.linear.gather [hbm4b:s25+s0], $0x1900, $0x38;
	[tilespmem:$0x1FB00] =	vst v63  }
0x18: {  	_ =	swait.ge [sflag:s23], $0x1900  }
0x19: {  	[sflag:s23] =	ssyncset.done $0x0  }
0x1a: {  	s26 =	rddreg [dreg:$0x8];
	[sflag:s23] =	ssyncadd.s32 $0xFFFFE700  }
0x1b: {  	[tilespmem:s14], [sflag:$0x7] =	stream.linear.gather [hbm4b:s26+s0], $0x1900, $0x38;
	[tilespmem:$0x1FB00] =	vst v63  }
0x1c: {  	_ =	swait.ge [sflag:s23], $0x1900  }
0x1d: {  	[sflag:s23] =	ssyncset.done $0x0  }
0x1e: {  	[sflag:s23] =	ssyncadd.s32 $0xFFFFE700  }
0x1f: {  	v60 =	vld [tilespmem:$0x1FA00]  }
0x20: {  	v62 =	vld [tilespmem:$0x1FA10]  }
0x21: {  	v4 =	vld [tilespmem:$0x1FA20]  }
0x22: {  	v6 =	vld [tilespmem:$0x1FA30]  }
0x23: {  	v0 =	vld [tilespmem:$0x1FA40]  }
0x24: {  	v61 =	vld [tilespmem:$0x1FA50]  }
0x25: {  	v63 =	vld [tilespmem:$0x1FA60]  }
0x26: {  	v7 =	vld [tilespmem:$0x1FA70]  }
0x27: {  	v8 =	vld [tilespmem:$0x1FA80]  }
0x28: {  	v9 =	vld [tilespmem:$0x1FA90]  }
0x29: {  	v10 =	vld [tilespmem:$0x1FAA0]  }
0x2a: {  	v11 =	vld [tilespmem:$0x1FAB0]  }
0x2b: {  	v12 =	vld [tilespmem:$0x1FAC0]  }
0x2c: {  	v13 =	vld [tilespmem:$0x1FAD0]  }
0x2d: {  	s29 =	simm.s32 $0x40;
	s30 =	simm.s32 $0x3200;
	s28 =	rddreg [dreg:$0x4];
	v14 =	vld [tilespmem:$0x1FAE0]  }
0x2e: {  	v15 =	vld [tilespmem:$0x1FAF0];
	[tilespmem:s30], [sflag:$0x1] =	stream.indirect.gather [hbm4b:s28+s29], $0x80, s0, s29, $0xb8  }
0x2f: {  	s31 =	simm.s32 $0x5200  }
0x30: {  	[tilespmem:s31], [sflag:$0x2] =	stream.indirect.gather [hbm4b:s28+s29], $0x80, s29, s29, $0xb8;
	[tilespmem:$0x1FB00] =	vst v63  }
0x31: {  	[tilespmem:$0x1FFD0] =	vst v0  }
0x32: {  	s21 =	simm.s32 $0x0;
	[tilespmem:$0x1FFE0] =	vst v61  }
0x33: {  	s22 =	simm.s32 $0x0;
	s24 =	simm.s32 $0x0;
	s23 =	simm.s32 $0x0;
	[tilespmem:$0x1FFF0] =	vst v63  }
.LBB2_2:
0x34: {  	p0 =	sgt.u32 s23, $0x61;
	s2 =	sand.u32 $0x3, s23  }
0x35: {  	s4 =	sadd.s32 $0xFFFFFFFE, s22;
	s7 =	rddreg [dreg:$0x4];
	s0 =	sadd.s32 @!p0 $0x2, s23  }
0x36: {  	s5 =	simm.s32 @!p0 $0x40;
	s6 =	sadd.s32 $0x2, s4;
	s1 =	sand.u32 @!p0 $0x3, s0  }
0x37: {  	s2 =	sadd.s32 $0x1, s2;
	s0 =	sshll.u32 @!p0 s0, $0x6;
	s3 =	sshll.u32 @!p0 s1, $0xD  }
0x38: {  	v16 =	vmov s6;
	s0 =	sand.u32 @!p0 $0x3FFFFFC0, s0;
	s1 =	sadd.s32 @!p0 $0x1, s1;
	s3 =	sadd.s32 @!p0 $0x3200, s3  }
0x39: {  	v16 =	vand.u32 $0xFFFFFFFE, v16;
	[tilespmem:s3], [sflag:s1] =	stream.indirect.gather @!p0 [hbm4b:s7+s5], $0x80, s0, s5, $0xb8;
	[tilespmem:$0x1FB00] =	vst v63  }
0x3a: {  	v16 =	vbroadcast v16, $0x0;
	_ =	swait.ge [sflag:s2], $0x2000  }
0x3b: {  	s5 =	sand.u32 $0x1, s23;
	p0 =	slt.u32 s23, $0x2;
	[sflag:s2] =	ssyncset.done $0x0  }
0x3c: {  	s0 =	sadd.s32 @!p0 $0x5, s5;
	[sflag:s2] =	ssyncadd.s32 $0xFFFFE000  }
0x3d: {  	s6 =	sadd.s32 $0xFFFFFFFE, s24;
	s3 =	sand.u32 $0x3, s21;
	_ =	swait.ge @!p0 [sflag:s0], $0x4000  }
0x3e: {  	s1 =	sshll.u32 s3, $0xD;
	s3 =	sadd.s32 $0x2, s6;
	[sflag:s0] =	ssyncset.done @!p0 $0x0  }
0x3f: {  	[sflag:s0] =	ssyncadd.s32 @!p0 $0xFFFFC000;
	p0 =	sgt.s32 s3, $0xC7;
	s0 =	sadd.s32 $0xFFFFFF3A, s6  }
0x40: {  	s29 =	sadd.s32 $0x3280, s1;
	v25 =	vld.idx.msk [tilespmem:v16+s14+$0x0], $0xffff;
	s3 =	smov.u32 @p0 s0  }
0x41: {  	v16 =	vld [tilespmem:s29+$0xFFFFFF80];
	s0 =	sshll.u32 s3, $0x8;
	s7 =	sshll.u32 s3, $0x7  }
0x42: {  	s0 =	sand.u32 $0xFFFFF800, s0;
	s1 =	sand.u32 $0x380, s7  }
0x43: {  	s0 =	sor.u32 s1, s0  }
0x44: {  	v17 =	vld [tilespmem:s0+$0x13200]  }
0x45: {  	v18 =	vmul.f32 v25, v60  }
0x46: {  	v19 =	vshll.u32 v16, $0x10  }
0x47: {  	s9 =	simm.s32 $0x0;
	s8 =	sshll.u32 s5, $0xE;
	v18 =	vadd.f32 v19, v18  }
0x48: {  	s10 =	sand.u32 $0x3800, s9;
	s26 =	sor.u32 $0xB200, s8  }
0x49: {  	s3 =	sand.u32 $0x300, s9;
	s1 =	sadd.s32 s10, s26;
	v17 =	vadd.f32 v18, v17  }
0x4a: {  	s4 =	sadd.s32 $0x3, s4;
	[dreg:$0xb] =	wrdreg s5;
	s19 =	sadd.s32 s3, s1  }
0x4b: {  	s9 =	sadd.s32 $0x13200, s0;
	v18 =	vmov s4;
	[tilespmem:s19+$0x0] =	vst v17  }
0x4c: {  	v17 =	vld [tilespmem:s9+$0x10]  }
0x4d: {  	s0 =	sadd.s32 $0x3, s6;
	v19 =	vmul.f32 v25, v62  }
0x4e: {  	s2 =	sadd.s32 $0xFFFFFF3B, s6;
	p0 =	sgt.s32 s0, $0xC7;
	v16 =	vand.u32 $0xFFFF0000, v16  }
0x4f: {  	s0 =	smov.u32 @p0 s2;
	v16 =	vadd.f32 v16, v19  }
0x50: {  	s2 =	sshll.u32 s0, $0x8;
	s0 =	sshll.u32 s0, $0x7;
	v18 =	vld.idx.msk [tilespmem:v18+s14+$0x0], $0xffff  }
0x51: {  	s2 =	sand.u32 $0xFFFFF800, s2;
	s0 =	sand.u32 $0x380, s0;
	v19 =	vld [tilespmem:s29+$0x0];
	v16 =	vadd.f32 v17, v16  }
0x52: {  	s0 =	sor.u32 s0, s2  }
0x53: {  	v17 =	vld [tilespmem:s0+$0x13200];
	[tilespmem:s19+$0x10] =	vst v16  }
0x54: {  	v16 =	vld [tilespmem:s29+$0xFFFFFF90]  }
0x55: {  	v20 =	vmul.f32 v18, v60  }
0x56: {  	v21 =	vshll.u32 v19, $0x10  }
0x57: {  	v20 =	vadd.f32 v21, v20;
	v21 =	vld [tilespmem:s9+$0x20]  }
0x58: {  	v22 =	vmul.f32 v25, v4  }
0x59: {  	s11 =	simm.s32 $0x80;
	v17 =	vadd.f32 v20, v17;
	v20 =	vshll.u32 v16, $0x10  }
0x5a: {  	s2 =	sand.u32 $0x380, s11;
	v20 =	vadd.f32 v20, v22  }
0x5b: {  	s28 =	sadd.s32 s2, s1  }
0x5c: {  	s30 =	sadd.s32 $0x13200, s0;
	[tilespmem:s28+$0x0] =	vst v17;
	v20 =	vadd.f32 v20, v21  }
0x5d: {  	v17 =	vld [tilespmem:s30+$0x10]  }
0x5e: {  	v21 =	vmul.f32 v18, v62;
	[tilespmem:s19+$0x20] =	vst v20  }
0x5f: {  	v19 =	vand.u32 $0xFFFF0000, v19;
	v20 =	vld [tilespmem:s9+$0x30]  }
0x60: {  	v19 =	vadd.f32 v19, v21;
	v21 =	vmul.f32 v25, v6  }
0x61: {  	v16 =	vand.u32 $0xFFFF0000, v16  }
0x62: {  	v17 =	vadd.f32 v17, v19;
	v16 =	vadd.f32 v16, v21;
	_ =	sdelay $0x1  }
0x63: {  	[tilespmem:s28+$0x10] =	vst v17;
	v16 =	vadd.f32 v20, v16  }
0x64: {  	v17 =	vld [tilespmem:s29+$0x10]  }
0x65: {  	v19 =	vld [tilespmem:s30+$0x20];
	[tilespmem:s19+$0x30] =	vst v16  }
0x66: {  	v0 =	vld [tilespmem:$0x1FFD0]  }
0x67: {  	s12 =	sadd.s32 $0x0, s22;
	v20 =	vld [tilespmem:s29+$0xFFFFFFA0]  }
0x68: {  	s13 =	sadd.s32 $0x2, s12;
	v16 =	vmul.f32 v18, v4  }
0x69: {  	v22 =	vmov s13;
	v21 =	vshll.u32 v17, $0x10  }
0x6a: {  	v16 =	vadd.f32 v21, v16;
	v21 =	vand.u32 $0xFFFFFFFE, v22;
	v22 =	vld [tilespmem:s9+$0x40]  }
0x6b: {  	v23 =	vmul.f32 v25, v0  }
0x6c: {  	v16 =	vadd.f32 v16, v19;
	v19 =	vshll.u32 v20, $0x10  }
0x6d: {  	v19 =	vadd.f32 v19, v23  }
0x6e: {  	v21 =	vbroadcast v21, $0x0  }
0x6f: {  	v19 =	vadd.f32 v19, v22  }
0x70: {  	[tilespmem:s28+$0x20] =	vst v16  }
0x71: {  	v23 =	vld [tilespmem:s30+$0x30];
	[tilespmem:s19+$0x40] =	vst v19  }
0x72: {  	s15 =	sadd.s32 $0x0, s24;
	v1 =	vld [tilespmem:$0x1FFE0]  }
0x73: {  	s2 =	sadd.s32 $0x2, s15;
	v22 =	vmul.f32 v18, v6  }
0x74: {  	s3 =	sadd.s32 $0xFFFFFF3A, s15;
	p0 =	sgt.s32 s2, $0xC7;
	s0 =	sadd.s32 $0x100, s29;
	v17 =	vand.u32 $0xFFFF0000, v17;
	v16 =	vld.idx.msk [tilespmem:v21+s14+$0x0], $0xffff  }
0x75: {  	s16 =	sadd.s32 $0x3, s12;
	s2 =	smov.u32 @p0 s3;
	v17 =	vadd.f32 v17, v22;
	v22 =	vld [tilespmem:s0+$0xFFFFFF80]  }
0x76: {  	s3 =	sshll.u32 s2, $0x8;
	s2 =	sshll.u32 s2, $0x7;
	v21 =	vmov s16;
	v19 =	vld [tilespmem:s9+$0x50]  }
0x77: {  	s3 =	sand.u32 $0xFFFFF800, s3;
	s2 =	sand.u32 $0x380, s2;
	v17 =	vadd.f32 v23, v17;
	v24 =	vmul.f32 v25, v1  }
0x78: {  	s2 =	sor.u32 s2, s3;
	v20 =	vand.u32 $0xFFFF0000, v20  }
0x79: {  	[tilespmem:s28+$0x30] =	vst v17;
	v17 =	vld [tilespmem:s2+$0x13200];
	v20 =	vadd.f32 v20, v24  }
0x7a: {  	s4 =	sadd.s32 $0x3, s15;
	v24 =	vmul.f32 v16, v60  }
0x7b: {  	s20 =	simm.s32 $0x100;
	s1 =	sadd.s32 $0xFFFFFF3B, s15;
	p0 =	sgt.s32 s4, $0xC7;
	v20 =	vadd.f32 v19, v20;
	v19 =	vld.idx.msk [tilespmem:v21+s14+$0x0], $0xffff;
	v21 =	vshll.u32 v22, $0x10  }
0x7c: {  	s18 =	simm.s32 $0x200;
	s25 =	sand.u32 $0x300, s20;
	s4 =	smov.u32 @p0 s1;
	v21 =	vadd.f32 v21, v24  }
0x7d: {  	s1 =	sshll.u32 s4, $0x8;
	s17 =	sshll.u32 s4, $0x7;
	s4 =	sand.u32 $0x3800, s18  }
0x7e: {  	s1 =	sand.u32 $0xFFFFF800, s1;
	s3 =	sand.u32 $0x380, s17;
	s4 =	sadd.s32 s4, s26;
	v17 =	vadd.f32 v21, v17  }
0x7f: {  	s3 =	sor.u32 s3, s1;
	s1 =	sadd.s32 s25, s4;
	v26 =	vld [tilespmem:s0+$0x0];
	[tilespmem:s19+$0x50] =	vst v20  }
0x80: {  	v23 =	vld [tilespmem:s29+$0x20];
	[tilespmem:s1+$0x0] =	vst v17  }
0x81: {  	v2 =	vld [tilespmem:$0x1FFF0]  }
0x82: {  	v20 =	vld [tilespmem:s29+$0xFFFFFFB0]  }
0x83: {  	v24 =	vld [tilespmem:s30+$0x40]  }
0x84: {  	v27 =	vld [tilespmem:s3+$0x13200];
	v21 =	vmul.f32 v18, v0  }
0x85: {  	s11 =	sadd.s32 $0x13200, s2;
	v28 =	vshll.u32 v23, $0x10;
	v29 =	vmul.f32 v19, v60;
	v17 =	vld [tilespmem:s9+$0x60]  }
0x86: {  	v21 =	vadd.f32 v28, v21;
	v28 =	vshll.u32 v26, $0x10;
	v30 =	vld [tilespmem:s11+$0x10];
	v31 =	vmul.f32 v25, v2  }
0x87: {  	v28 =	vadd.f32 v28, v29;
	v29 =	vmul.f32 v16, v62;
	v32 =	vshll.u32 v20, $0x10  }
0x88: {  	s5 =	simm.s32 $0x180;
	v22 =	vand.u32 $0xFFFF0000, v22;
	v21 =	vadd.f32 v21, v24;
	v24 =	vadd.f32 v32, v31  }
0x89: {  	s2 =	sand.u32 $0x380, s5;
	v27 =	vadd.f32 v28, v27;
	v22 =	vadd.f32 v22, v29  }
0x8a: {  	s31 =	sadd.s32 s2, s4;
	[tilespmem:s28+$0x40] =	vst v21;
	v17 =	vadd.f32 v24, v17  }
0x8b: {  	s13 =	sadd.s32 $0x13200, s3;
	v21 =	vld [tilespmem:s30+$0x50];
	[tilespmem:s31+$0x0] =	vst v27;
	v22 =	vadd.f32 v30, v22  }
0x8c: {  	v27 =	vld [tilespmem:s13+$0x10];
	v24 =	vmul.f32 v18, v1;
	[tilespmem:s19+$0x60] =	vst v17  }
0x8d: {  	[tilespmem:s1+$0x10] =	vst v22;
	v17 =	vand.u32 $0xFFFF0000, v23;
	v23 =	vmul.f32 v19, v62;
	v22 =	vld [tilespmem:s9+$0x70]  }
0x8e: {  	v28 =	vmul.f32 v25, v7;
	v17 =	vadd.f32 v17, v24;
	v24 =	vand.u32 $0xFFFF0000, v26;
	v26 =	vld [tilespmem:s0+$0xFFFFFF90]  }
0x8f: {  	v20 =	vand.u32 $0xFFFF0000, v20;
	v23 =	vadd.f32 v24, v23  }
0x90: {  	v20 =	vadd.f32 v20, v28;
	v17 =	vadd.f32 v21, v17  }
0x91: {  	v21 =	vadd.f32 v27, v23;
	v23 =	vld [tilespmem:s11+$0x20]  }
0x92: {  	[tilespmem:s28+$0x50] =	vst v17;
	v17 =	vmul.f32 v16, v4;
	v20 =	vadd.f32 v22, v20  }
0x93: {  	v22 =	vld [tilespmem:s29+$0x30];
	[tilespmem:s31+$0x10] =	vst v21;
	v21 =	vshll.u32 v26, $0x10  }
0x94: {  	v24 =	vld [tilespmem:s0+$0x10];
	v17 =	vadd.f32 v21, v17;
	[tilespmem:s19+$0x70] =	vst v20  }
0x95: {  	v20 =	vld [tilespmem:s29+$0xFFFFFFC0]  }
0x96: {  	v21 =	vld [tilespmem:s30+$0x60];
	v17 =	vadd.f32 v17, v23  }
0x97: {  	v27 =	vld [tilespmem:s13+$0x20];
	v23 =	vmul.f32 v18, v2  }
0x98: {  	v28 =	vmul.f32 v19, v4;
	v29 =	vshll.u32 v22, $0x10;
	[tilespmem:s1+$0x20] =	vst v17;
	v17 =	vld [tilespmem:s9+$0x400]  }
0x99: {  	v31 =	vmul.f32 v25, v8;
	v23 =	vadd.f32 v29, v23;
	v29 =	vshll.u32 v24, $0x10;
	v30 =	vld [tilespmem:s11+$0x30]  }
0x9a: {  	v28 =	vadd.f32 v29, v28;
	v29 =	vmul.f32 v16, v6;
	v46 =	vshll.u32 v20, $0x10  }
0x9b: {  	v21 =	vadd.f32 v23, v21;
	v23 =	vand.u32 $0xFFFF0000, v26;
	v26 =	vadd.f32 v46, v31  }
0x9c: {  	v27 =	vadd.f32 v28, v27;
	v23 =	vadd.f32 v23, v29  }
0x9d: {  	[tilespmem:s28+$0x60] =	vst v21;
	v17 =	vadd.f32 v26, v17  }
0x9e: {  	v21 =	vld [tilespmem:s30+$0x70];
	[tilespmem:s31+$0x20] =	vst v27;
	v23 =	vadd.f32 v30, v23  }
0x9f: {  	v26 =	vmul.f32 v18, v7;
	v27 =	vld [tilespmem:s13+$0x30];
	[tilespmem:s19+$0x400] =	vst v17  }
0xa0: {  	v22 =	vand.u32 $0xFFFF0000, v22;
	v17 =	vmul.f32 v19, v6;
	[tilespmem:s1+$0x30] =	vst v23;
	v23 =	vld [tilespmem:s9+$0x410]  }
0xa1: {  	s6 =	sadd.s32 $0x2, s22;
	v24 =	vand.u32 $0xFFFF0000, v24;
	v22 =	vadd.f32 v22, v26;
	v26 =	vld [tilespmem:s0+$0xFFFFFFA0]  }
0xa2: {  	s7 =	sadd.s32 $0x2, s6;
	v17 =	vadd.f32 v24, v17;
	v24 =	vmul.f32 v25, v9  }
0xa3: {  	v20 =	vand.u32 $0xFFFF0000, v20;
	v28 =	vmov s7;
	v21 =	vadd.f32 v21, v22  }
0xa4: {  	v22 =	vand.u32 $0xFFFFFFFE, v28;
	v17 =	vadd.f32 v27, v17;
	v20 =	vadd.f32 v20, v24;
	v24 =	vld [tilespmem:s11+$0x40]  }
0xa5: {  	s15 =	sadd.s32 $0x100, s0;
	v22 =	vbroadcast v22, $0x0;
	[tilespmem:s28+$0x70] =	vst v21;
	v21 =	vmul.f32 v16, v0  }
0xa6: {  	v34 =	vld [tilespmem:s15+$0x0];
	[tilespmem:s31+$0x30] =	vst v17;
	v17 =	vadd.f32 v23, v20;
	v20 =	vshll.u32 v26, $0x10  }
0xa7: {  	v31 =	vld [tilespmem:s15+$0xFFFFFF80];
	v20 =	vadd.f32 v20, v21  }
0xa8: {  	s2 =	sadd.s32 $0x3, s6;
	v23 =	vld [tilespmem:s0+$0x20]  }
0xa9: {  	s8 =	sadd.s32 $0x2, s24;
	v28 =	vmov s2;
	v21 =	vld [tilespmem:s13+$0x40];
	[tilespmem:s19+$0x410] =	vst v17;
	v20 =	vadd.f32 v20, v24  }
0xaa: {  	s3 =	sadd.s32 $0x2, s8;
	v29 =	vld [tilespmem:s29+$0xFFFFFFD0]  }
0xab: {  	p0 =	sgt.s32 s3, $0xC7;
	s5 =	sadd.s32 $0xFFFFFF3A, s8;
	s4 =	sadd.s32 $0x3, s8;
	v17 =	vld.idx.msk [tilespmem:v22+s14+$0x0], $0xffff;
	[tilespmem:s1+$0x40] =	vst v20  }
0xac: {  	s3 =	smov.u32 @p0 s5;
	p0 =	sgt.s32 s4, $0xC7;
	v22 =	vmul.f32 v19, v0;
	v24 =	vld [tilespmem:s11+$0x50]  }
0xad: {  	s5 =	sshll.u32 s3, $0x8;
	s3 =	sshll.u32 s3, $0x7;
	v47 =	vmul.f32 v16, v1;
	s2 =	sadd.s32 $0xFFFFFF3B, s8;
	v20 =	vld [tilespmem:s9+$0x420];
	v30 =	vshll.u32 v23, $0x10  }
0xae: {  	s10 =	sand.u32 $0xFFFFF800, s5;
	s3 =	sand.u32 $0x380, s3;
	s4 =	smov.u32 @p0 s2;
	v26 =	vand.u32 $0xFFFF0000, v26;
	v33 =	vld.idx.msk [tilespmem:v28+s14+$0x0], $0xffff;
	v28 =	vmul.f32 v25, v10;
	v22 =	vadd.f32 v30, v22  }
0xaf: {  	s2 =	sor.u32 s3, s10;
	s12 =	sshll.u32 s4, $0x8;
	s4 =	sshll.u32 s4, $0x7;
	v27 =	vld [tilespmem:s29+$0x40];
	v26 =	vadd.f32 v26, v47;
	v30 =	vshll.u32 v29, $0x10  }
0xb0: {  	s16 =	sand.u32 $0xFFFFF800, s12;
	s4 =	sand.u32 $0x380, s4;
	v21 =	vadd.f32 v22, v21;
	v22 =	vadd.f32 v30, v28;
	v28 =	vld [tilespmem:s2+$0x13200]  }
0xb1: {  	s3 =	sor.u32 s4, s16;
	v30 =	vld [tilespmem:s30+$0x400];
	v48 =	vmul.f32 v17, v60;
	v24 =	vadd.f32 v24, v26  }
0xb2: {  	[tilespmem:s31+$0x40] =	vst v21;
	v20 =	vadd.f32 v22, v20;
	v21 =	vld [tilespmem:s3+$0x13200];
	v22 =	vshll.u32 v31, $0x10  }
0xb3: {  	s17 =	simm.s32 $0x400;
	v26 =	vmul.f32 v33, v60;
	v35 =	vld [tilespmem:s13+$0x50];
	v22 =	vadd.f32 v22, v48;
	[tilespmem:s1+$0x50] =	vst v24  }
0xb4: {  	s18 =	simm.s32 $0x200;
	v49 =	vmul.f32 v19, v1;
	s4 =	sand.u32 $0x3800, s17;
	v24 =	vmul.f32 v18, v8;
	[tilespmem:s19+$0x420] =	vst v20;
	v20 =	vshll.u32 v34, $0x10;
	v36 =	vld [tilespmem:s0+$0xFFFFFFB0]  }
0xb5: {  	s5 =	sand.u32 $0x300, s18;
	s4 =	sadd.s32 s4, s26;
	v37 =	vshll.u32 v27, $0x10;
	v38 =	vld [tilespmem:s9+$0x430];
	v20 =	vadd.f32 v20, v26;
	v22 =	vadd.f32 v22, v28  }
0xb6: {  	s20 =	simm.s32 $0x280;
	s16 =	sadd.s32 s5, s4;
	v23 =	vand.u32 $0xFFFF0000, v23;
	v26 =	vmul.f32 v25, v11;
	v24 =	vadd.f32 v37, v24  }
0xb7: {  	s25 =	sand.u32 $0x380, s20;
	s7 =	sadd.s32 $0x13200, s2;
	v23 =	vadd.f32 v23, v49;
	v28 =	vand.u32 $0xFFFF0000, v29;
	v20 =	vadd.f32 v20, v21;
	[tilespmem:s16+$0x0] =	vst v22;
	v21 =	vld [tilespmem:s11+$0x60]  }
0xb8: {  	s17 =	sadd.s32 s25, s4;
	v22 =	vadd.f32 v24, v30;
	v24 =	vadd.f32 v28, v26;
	v26 =	vld [tilespmem:s7+$0x10];
	v28 =	vmul.f32 v16, v2  }
0xb9: {  	s6 =	sadd.s32 $0x13200, s3;
	v23 =	vadd.f32 v35, v23;
	[tilespmem:s17+$0x0] =	vst v20;
	v20 =	vmul.f32 v17, v62;
	v29 =	vshll.u32 v36, $0x10  }
0xba: {  	v30 =	vand.u32 $0xFFFF0000, v31;
	[tilespmem:s28+$0x400] =	vst v22;
	v22 =	vadd.f32 v38, v24;
	v24 =	vld [tilespmem:s6+$0x10];
	v28 =	vadd.f32 v29, v28  }
0xbb: {  	[tilespmem:s31+$0x50] =	vst v23;
	v29 =	vmul.f32 v33, v62;
	v31 =	vld [tilespmem:s30+$0x410];
	v20 =	vadd.f32 v30, v20  }
0xbc: {  	v23 =	vand.u32 $0xFFFF0000, v34;
	v30 =	vld [tilespmem:s0+$0x30];
	[tilespmem:s19+$0x430] =	vst v22;
	v21 =	vadd.f32 v28, v21  }
0xbd: {  	v22 =	vmul.f32 v18, v9;
	v23 =	vadd.f32 v23, v29;
	v28 =	vld [tilespmem:s29+$0xFFFFFFE0];
	v20 =	vadd.f32 v26, v20  }
0xbe: {  	v26 =	vand.u32 $0xFFFF0000, v27;
	v29 =	vld [tilespmem:s13+$0x60];
	[tilespmem:s1+$0x60] =	vst v21  }
0xbf: {  	v21 =	vadd.f32 v26, v22;
	v22 =	vadd.f32 v24, v23;
	[tilespmem:s16+$0x10] =	vst v20;
	v20 =	vld [tilespmem:s11+$0x70]  }
0xc0: {  	v24 =	vmul.f32 v16, v7;
	v23 =	vld [tilespmem:s15+$0xFFFFFF90]  }
0xc1: {  	v26 =	vmul.f32 v19, v2;
	v21 =	vadd.f32 v31, v21;
	v31 =	vld [tilespmem:s9+$0x440];
	[tilespmem:s17+$0x10] =	vst v22;
	v22 =	vand.u32 $0xFFFF0000, v36  }
0xc2: {  	v50 =	vmul.f32 v25, v12;
	v27 =	vshll.u32 v30, $0x10;
	v52 =	vld [tilespmem:s7+$0x20];
	v22 =	vadd.f32 v22, v24  }
0xc3: {  	v51 =	vld [tilespmem:s15+$0x10];
	v24 =	vadd.f32 v27, v26;
	v26 =	vshll.u32 v28, $0x10  }
0xc4: {  	[tilespmem:s28+$0x410] =	vst v21;
	v21 =	vadd.f32 v26, v50;
	v26 =	vmul.f32 v17, v4;
	v20 =	vadd.f32 v20, v22  }
0xc5: {  	s5 =	sadd.s32 $0x4, s22;
	v27 =	vld [tilespmem:s29+$0x50];
	v22 =	vadd.f32 v24, v29;
	v24 =	vshll.u32 v23, $0x10  }
0xc6: {  	s2 =	sadd.s32 $0x3, s5;
	v29 =	vld [tilespmem:s6+$0x20];
	v21 =	vadd.f32 v21, v31;
	v24 =	vadd.f32 v24, v26;
	[tilespmem:s1+$0x70] =	vst v20  }
0xc7: {  	v57 =	vmov s2;
	v20 =	vmul.f32 v33, v4;
	[tilespmem:s31+$0x60] =	vst v22;
	v22 =	vld [tilespmem:s0+$0xFFFFFFC0]  }
0xc8: {  	v26 =	vmul.f32 v19, v7;
	v31 =	vld [tilespmem:s13+$0x70];
	[tilespmem:s19+$0x440] =	vst v21;
	v21 =	vshll.u32 v51, $0x10;
	v24 =	vadd.f32 v24, v52  }
0xc9: {  	v30 =	vand.u32 $0xFFFF0000, v30;
	v53 =	vld [tilespmem:s9+$0x450];
	v20 =	vadd.f32 v21, v20  }
0xca: {  	v21 =	vadd.f32 v30, v26;
	v26 =	vmul.f32 v25, v13;
	[tilespmem:s16+$0x20] =	vst v24;
	v24 =	vld [tilespmem:s11+$0x400]  }
0xcb: {  	v28 =	vand.u32 $0xFFFF0000, v28;
	v30 =	vmul.f32 v16, v8;
	v20 =	vadd.f32 v20, v29;
	v29 =	vld [tilespmem:s7+$0x30]  }
0xcc: {  	v35 =	vld.idx.msk [tilespmem:v57+s14+$0x0], $0xffff;
	v26 =	vadd.f32 v28, v26;
	v28 =	vmul.f32 v17, v6;
	v54 =	vshll.u32 v22, $0x10  }
0xcd: {  	v55 =	vld [tilespmem:s30+$0x420];
	v23 =	vand.u32 $0xFFFF0000, v23;
	v21 =	vadd.f32 v31, v21;
	v30 =	vadd.f32 v54, v30  }
0xce: {  	v31 =	vmul.f32 v18, v10;
	[tilespmem:s17+$0x20] =	vst v20;
	v23 =	vadd.f32 v23, v28;
	v20 =	vadd.f32 v53, v26  }
0xcf: {  	v26 =	vshll.u32 v27, $0x10;
	v56 =	vld [tilespmem:s6+$0x30];
	[tilespmem:s31+$0x70] =	vst v21;
	v21 =	vadd.f32 v30, v24  }
0xd0: {  	v44 =	vmul.f32 v19, v9;
	v24 =	vadd.f32 v26, v31;
	v28 =	vld [tilespmem:s0+$0x40];
	[tilespmem:s19+$0x450] =	vst v20;
	v20 =	vadd.f32 v29, v23  }
0xd1: {  	v47 =	vmul.f32 v25, v14;
	v23 =	vmul.f32 v33, v6;
	v42 =	vld [tilespmem:s13+$0x400];
	[tilespmem:s1+$0x400] =	vst v21  }
0xd2: {  	v32 =	vmul.f32 v33, v9;
	v21 =	vand.u32 $0xFFFF0000, v51;
	v24 =	vadd.f32 v24, v55;
	[tilespmem:s16+$0x30] =	vst v20;
	v29 =	vld [tilespmem:s11+$0x410]  }
0xd3: {  	s8 =	sadd.s32 $0x2, s5;
	v37 =	vmul.f32 v19, v10;
	v21 =	vadd.f32 v21, v23;
	v41 =	vld [tilespmem:s15+$0xFFFFFFA0];
	v23 =	vmul.f32 v16, v9  }
0xd4: {  	v57 =	vmul.f32 v16, v10;
	v22 =	vand.u32 $0xFFFF0000, v22;
	v26 =	vld [tilespmem:s29+$0xFFFFFFF0];
	[tilespmem:s28+$0x420] =	vst v24;
	v24 =	vmov s8  }
0xd5: {  	v45 =	vld [tilespmem:s9+$0x460];
	v21 =	vadd.f32 v56, v21;
	v24 =	vand.u32 $0xFFFFFFFE, v24;
	v22 =	vadd.f32 v22, v23  }
0xd6: {  	v38 =	vmul.f32 v18, v12;
	v40 =	vld [tilespmem:s7+$0x40];
	v39 =	vbroadcast v24, $0x0  }
0xd7: {  	v34 =	vmul.f32 v18, v13;
	s8 =	sadd.s32 $0x100, s15;
	v43 =	vld [tilespmem:s30+$0x430];
	[tilespmem:s17+$0x30] =	vst v21;
	v21 =	vmul.f32 v17, v0;
	v22 =	vadd.f32 v29, v22  }
0xd8: {  	v36 =	vmul.f32 v19, v11;
	v50 =	vmul.f32 v33, v0;
	v53 =	vld [tilespmem:s8+$0xFFFFFF80];
	v58 =	vshll.u32 v41, $0x10  }
0xd9: {  	s10 =	sadd.s32 $0x4, s24;
	v25 =	vmul.f32 v25, v15;
	v31 =	vmul.f32 v19, v8;
	v29 =	vld [tilespmem:s15+$0x20];
	v21 =	vadd.f32 v58, v21;
	[tilespmem:s1+$0x410] =	vst v22  }
0xda: {  	s3 =	sadd.s32 $0x2, s10;
	v27 =	vand.u32 $0xFFFF0000, v27;
	v30 =	vmul.f32 v18, v11;
	v61 =	vshll.u32 v28, $0x10;
	v48 =	vld [tilespmem:s0+$0xFFFFFFD0]  }
0xdb: {  	s2 =	sadd.s32 $0xFFFFFF3A, s10;
	p0 =	sgt.s32 s3, $0xC7;
	v49 =	vshll.u32 v26, $0x10;
	v63 =	vadd.f32 v61, v31;
	v46 =	vld [tilespmem:s6+$0x40];
	v59 =	vadd.f32 v21, v40  }
0xdc: {  	s4 =	sadd.s32 $0x3, s10;
	s3 =	smov.u32 @p0 s2;
	v20 =	vmul.f32 v18, v14;
	v18 =	vmul.f32 v18, v15;
	v47 =	vadd.f32 v49, v47;
	v21 =	vld.idx.msk [tilespmem:v39+s14+$0x0], $0xffff  }
0xdd: {  	p1 =	sgt.s32 s4, $0xC7;
	s2 =	sshll.u32 s3, $0x8;
	s3 =	sshll.u32 s3, $0x7;
	v51 =	vmul.f32 v33, v1;
	v27 =	vadd.f32 v27, v30;
	v42 =	vadd.f32 v63, v42;
	v52 =	vld [tilespmem:s11+$0x420];
	[tilespmem:s16+$0x40] =	vst v59  }
0xde: {  	s5 =	sadd.s32 $0xFFFFFF3B, s10;
	s2 =	sand.u32 $0xFFFFF800, s2;
	s3 =	sand.u32 $0x380, s3;
	v23 =	vmul.f32 v19, v13;
	v45 =	vadd.f32 v47, v45;
	v56 =	vshll.u32 v29, $0x10;
	v49 =	vld [tilespmem:s7+$0x50]  }
0xdf: {  	s4 =	smov.u32 @p1 s5;
	s3 =	sor.u32 s3, s2;
	v54 =	vld [tilespmem:s8+$0x0];
	v58 =	vmul.f32 v17, v1;
	[tilespmem:s31+$0x400] =	vst v42;
	v47 =	vadd.f32 v56, v50;
	v59 =	vshll.u32 v48, $0x10  }
0xe0: {  	s5 =	sshll.u32 s4, $0x8;
	s4 =	sshll.u32 s4, $0x7;
	v41 =	vand.u32 $0xFFFF0000, v41;
	v27 =	vadd.f32 v43, v27;
	[tilespmem:s19+$0x460] =	vst v45;
	v45 =	vld [tilespmem:s3+$0x13200];
	v50 =	vadd.f32 v59, v57  }
0xe1: {  	s12 =	sand.u32 $0xFFFFF800, s5;
	s4 =	sand.u32 $0x380, s4;
	v41 =	vadd.f32 v41, v58;
	v43 =	vld [tilespmem:s13+$0x410];
	v46 =	vadd.f32 v47, v46;
	v61 =	vmul.f32 v21, v60  }
0xe2: {  	s4 =	sor.u32 s4, s12;
	v28 =	vand.u32 $0xFFFF0000, v28;
	v56 =	vshll.u32 v53, $0x10;
	v47 =	vld [tilespmem:s9+$0x470];
	v30 =	vadd.f32 v50, v52  }
0xe3: {  	s20 =	simm.s32 $0x600;
	v24 =	vmul.f32 v19, v12;
	[tilespmem:s17+$0x40] =	vst v46;
	v50 =	vld [tilespmem:s4+$0x13200];
	v41 =	vadd.f32 v49, v41;
	v46 =	vadd.f32 v56, v61  }
0xe4: {  	s18 =	sand.u32 $0x3800, s20;
	s2 =	simm.s32 $0x300;
	v31 =	vmul.f32 v33, v8;
	v28 =	vadd.f32 v28, v44;
	v63 =	vmul.f32 v35, v60;
	v52 =	vld [tilespmem:s6+$0x50];
	[tilespmem:s1+$0x420] =	vst v30  }
0xe5: {  	s5 =	sadd.s32 s18, s26;
	s25 =	sand.u32 $0x300, s2;
	v55 =	vand.u32 $0xFFFF0000, v29;
	v57 =	vshll.u32 v54, $0x10;
	[tilespmem:s16+$0x50] =	vst v41;
	v45 =	vadd.f32 v46, v45;
	v58 =	vld [tilespmem:s11+$0x430]  }
0xe6: {  	s18 =	sadd.s32 s25, s5;
	v26 =	vand.u32 $0xFFFF0000, v26;
	[tilespmem:s28+$0x430] =	vst v27;
	v59 =	vadd.f32 v55, v51;
	v42 =	vadd.f32 v57, v63;
	v51 =	vld [tilespmem:s15+$0xFFFFFFB0]  }
0xe7: {  	s10 =	simm.s32 $0x380;
	s12 =	sadd.s32 $0x13200, s3;
	v40 =	vmul.f32 v33, v2;
	v63 =	vand.u32 $0xFFFF0000, v48;
	v48 =	vld [tilespmem:s29+$0x60];
	v61 =	vmul.f32 v16, v11;
	[tilespmem:s18+$0x0] =	vst v45  }
0xe8: {  	s10 =	sand.u32 $0x380, s10;
	v39 =	vmul.f32 v33, v7;
	v43 =	vadd.f32 v43, v28;
	v42 =	vadd.f32 v42, v50;
	v49 =	vld [tilespmem:s12+$0x10]  }
0xe9: {  	s9 =	sadd.s32 s10, s5;
	v28 =	vmul.f32 v21, v62;
	v46 =	vadd.f32 v63, v61;
	v45 =	vld [tilespmem:s7+$0x60];
	v56 =	vadd.f32 v52, v59  }
0xea: {  	v27 =	vmul.f32 v33, v12;
	v53 =	vand.u32 $0xFFFF0000, v53;
	s10 =	sadd.s32 $0x13200, s4;
	v57 =	vmul.f32 v17, v2;
	v50 =	vld [tilespmem:s30+$0x440];
	[tilespmem:s9+$0x0] =	vst v42  }
0xeb: {  	v53 =	vadd.f32 v53, v28;
	[tilespmem:s17+$0x50] =	vst v56;
	v41 =	vadd.f32 v58, v46;
	v58 =	vld [tilespmem:s10+$0x10];
	v59 =	vshll.u32 v51, $0x10  }
0xec: {  	v29 =	vmul.f32 v33, v11;
	[tilespmem:s31+$0x410] =	vst v43;
	v61 =	vmul.f32 v35, v62;
	v52 =	vld [tilespmem:s15+$0x30];
	v42 =	vadd.f32 v59, v57  }
0xed: {  	v63 =	vadd.f32 v26, v25;
	v25 =	vand.u32 $0xFFFF0000, v54;
	v43 =	vld [tilespmem:s6+$0x60];
	[tilespmem:s1+$0x430] =	vst v41;
	v55 =	vadd.f32 v49, v53  }
0xee: {  	v28 =	vmul.f32 v33, v13;
	v44 =	vadd.f32 v25, v61;
	v54 =	vld [tilespmem:s0+$0xFFFFFFE0];
	v42 =	vadd.f32 v42, v45  }
0xef: {  	v30 =	vmul.f32 v33, v10;
	v26 =	vmul.f32 v33, v14;
	v45 =	vld [tilespmem:s0+$0x50];
	[tilespmem:s18+$0x10] =	vst v55  }
0xf0: {  	v25 =	vmul.f32 v33, v15;
	v47 =	vadd.f32 v47, v63;
	v44 =	vadd.f32 v58, v44;
	[tilespmem:s16+$0x60] =	vst v42;
	v42 =	vld [tilespmem:s11+$0x440]  }
0xf1: {  	v56 =	vshll.u32 v48, $0x10;
	v48 =	vand.u32 $0xFFFF0000, v48;
	v57 =	vshll.u32 v52, $0x10;
	v49 =	vld [tilespmem:s8+$0xFFFFFF90]  }
0xf2: {  	v38 =	vadd.f32 v56, v38;
	v58 =	vmul.f32 v16, v12;
	v33 =	vld [tilespmem:s7+$0x70];
	v40 =	vadd.f32 v57, v40;
	[tilespmem:s9+$0x10] =	vst v44  }
0xf3: {  	v34 =	vadd.f32 v48, v34;
	v59 =	vmul.f32 v17, v7;
	v61 =	vshll.u32 v54, $0x10;
	v55 =	vld [tilespmem:s8+$0x10]  }
0xf4: {  	v63 =	vand.u32 $0xFFFF0000, v51;
	v40 =	vadd.f32 v40, v43;
	v41 =	vadd.f32 v61, v58  }
0xf5: {  	v53 =	vmul.f32 v35, v4;
	v38 =	vadd.f32 v38, v50;
	v56 =	vld [tilespmem:s12+$0x20];
	v44 =	vadd.f32 v63, v59  }
0xf6: {  	v52 =	vand.u32 $0xFFFF0000, v52;
	v57 =	vmul.f32 v21, v4;
	v46 =	vld [tilespmem:s10+$0x20];
	[tilespmem:s17+$0x60] =	vst v40;
	v42 =	vadd.f32 v41, v42  }
0xf7: {  	[tilespmem:s28+$0x440] =	vst v38;
	v50 =	vadd.f32 v52, v39;
	v61 =	vshll.u32 v49, $0x10;
	v33 =	vadd.f32 v33, v44;
	v52 =	vld [tilespmem:s6+$0x70]  }
0xf8: {  	v59 =	vand.u32 $0xFFFF0000, v45;
	v44 =	vld [tilespmem:s13+$0x420];
	v39 =	vadd.f32 v61, v57;
	[tilespmem:s1+$0x440] =	vst v42;
	v63 =	vshll.u32 v55, $0x10  }
0xf9: {  	v58 =	vshll.u32 v45, $0x10;
	v41 =	vmul.f32 v35, v0;
	[tilespmem:s16+$0x70] =	vst v33;
	v33 =	vld [tilespmem:s11+$0x450];
	v0 =	vadd.f32 v63, v53  }
0xfa: {  	v37 =	vadd.f32 v58, v37;
	v57 =	vmul.f32 v16, v13;
	v58 =	vadd.f32 v39, v56;
	v53 =	vld [tilespmem:s30+$0x450]  }
0xfb: {  	[tilespmem:s19+$0x470] =	vst v47;
	v45 =	vadd.f32 v59, v36;
	v59 =	vand.u32 $0xFFFF0000, v54;
	v48 =	vld [tilespmem:s15+$0xFFFFFFC0];
	v36 =	vadd.f32 v0, v46  }
0xfc: {  	v22 =	vmul.f32 v19, v14;
	v38 =	vadd.f32 v59, v57;
	[tilespmem:s18+$0x20] =	vst v58;
	v61 =	vadd.f32 v52, v50  }
0xfd: {  	v19 =	vmul.f32 v19, v15;
	v51 =	vmul.f32 v35, v6;
	v52 =	vadd.f32 v37, v44;
	[tilespmem:s9+$0x20] =	vst v36  }
0xfe: {  	v43 =	vmul.f32 v35, v1;
	v40 =	vmul.f32 v35, v2;
	v54 =	vld [tilespmem:s7+$0x400];
	[tilespmem:s17+$0x70] =	vst v61;
	v33 =	vadd.f32 v33, v38  }
0xff: {  	v2 =	vmul.f32 v21, v6;
	v63 =	vmul.f32 v17, v8;
	v0 =	vld [tilespmem:s12+$0x30];
	[tilespmem:s31+$0x420] =	vst v52;
	v59 =	vadd.f32 v53, v34  }
0x100: {  	v39 =	vmul.f32 v35, v7;
	v42 =	vand.u32 $0xFFFF0000, v49;
	v1 =	vshll.u32 v48, $0x10;
	v58 =	vld [tilespmem:s10+$0x30];
	[tilespmem:s1+$0x450] =	vst v33  }
0x101: {  	v46 =	vmul.f32 v35, v8;
	v44 =	vmul.f32 v35, v9;
	v50 =	vld [tilespmem:s15+$0x40];
	v57 =	vadd.f32 v1, v63;
	[tilespmem:s28+$0x450] =	vst v59  }
0x102: {  	s19 =	sshll.u32 s23, $0x6;
	v37 =	vmul.f32 v35, v10;
	v61 =	vand.u32 $0xFFFF0000, v55;
	v38 =	vadd.f32 v42, v2;
	v49 =	vld [tilespmem:s13+$0x430];
	s25 =	rddreg [dreg:$0x3]  }
0x103: {  	v36 =	vmul.f32 v35, v11;
	v63 =	vadd.f32 v61, v51;
	v51 =	vld [tilespmem:s6+$0x400];
	v54 =	vadd.f32 v57, v54;
	s3 =	sadd.s32 s25, s19  }
0x104: {  	v34 =	vmul.f32 v35, v12;
	v33 =	vmul.f32 v35, v13;
	v53 =	vadd.f32 v0, v38;
	v42 =	vld [tilespmem:s0+$0xFFFFFFF0];
	[dreg:$0xc] =	wrdreg s3  }
0x105: {  	s4 =	simm.s32 $0x6;
	v38 =	vmul.f32 v35, v14;
	v35 =	vmul.f32 v35, v15;
	v52 =	vadd.f32 v58, v63;
	[tilespmem:s16+$0x400] =	vst v54;
	v47 =	vld [tilespmem:s11+$0x460]  }
.LBB2_3:
0x106: {  	_ = 	snop  }
0x107: {  	[tilespmem:s18+$0x30] =	vst v53  }
0x108: {  	v0 =	vmul.f32 v17, v9;
	v53 =	vld [tilespmem:s7+$0x410]  }
0x109: {  	v48 =	vand.u32 $0xFFFF0000, v48;
	v56 =	vld [tilespmem:s8+$0xFFFFFFA0]  }
0x10a: {  	s3 =	sadd.s32 s4, s22;
	v55 =	vmul.f32 v16, v14;
	[tilespmem:s9+$0x30] =	vst v52;
	v48 =	vadd.f32 v48, v0;
	v0 =	vld [tilespmem:$0x1FFD0]  }
0x10b: {  	s25 =	sadd.s32 $0x2, s3;
	v54 =	vshll.u32 v50, $0x10;
	v58 =	vld [tilespmem:s8+$0x20];
	v57 =	vshll.u32 v42, $0x10  }
0x10c: {  	v63 =	vand.u32 $0xFFFF0000, v50;
	v1 =	vmov s25;
	v55 =	vadd.f32 v57, v55  }
0x10d: {  	s3 =	sadd.s32 $0x3, s3;
	v59 =	vld [tilespmem:s10+$0x40];
	v54 =	vadd.f32 v54, v31;
	v31 =	vmovc v46;
	v46 =	vand.u32 $0xFFFFFFFE, v1;
	v50 =	vadd.f32 v63, v32  }
0x10e: {  	v52 =	vld [tilespmem:s12+$0x40];
	v57 =	vmov s3;
	v46 =	vbroadcast v46, $0x0;
	v47 =	vadd.f32 v55, v47  }
0x10f: {  	v63 =	vadd.f32 v49, v45;
	v49 =	vld [tilespmem:s30+$0x460];
	v2 =	vmul.f32 v21, v0;
	v48 =	vadd.f32 v53, v48  }
0x110: {  	v51 =	vadd.f32 v54, v51;
	v53 =	vld [tilespmem:s29+$0x70];
	v61 =	vshll.u32 v56, $0x10;
	v1 =	vshll.u32 v58, $0x10;
	[tilespmem:s1+$0x460] =	vst v47  }
0x111: {  	s5 =	smov.u32 s4;
	v32 =	vmov v44;
	v41 =	vadd.f32 v1, v41;
	v1 =	vld [tilespmem:$0x1FFE0];
	v44 =	vadd.f32 v61, v2;
	[tilespmem:s16+$0x410] =	vst v48  }
0x112: {  	s19 =	sadd.s32 s5, s24;
	s29 =	smov.u32 s0;
	s0 =	smov.u32 s15;
	v48 =	vld [tilespmem:s11+$0x470]  }
0x113: {  	s5 =	sadd.s32 $0x2, s19;
	[tilespmem:s17+$0x400] =	vst v51;
	v55 =	vld [tilespmem:s0+$0xFFFFFFD0];
	v44 =	vadd.f32 v44, v52  }
0x114: {  	p1 =	sgt.s32 s5, $0xC7;
	s3 =	sadd.s32 $0xFFFFFF3A, s19;
	v51 =	vmul.f32 v16, v15;
	v16 =	vmovc v17;
	v17 =	vmov v21;
	v2 =	vand.u32 $0xFFFF0000, v58;
	v45 =	vld.idx.msk [tilespmem:v57+s14+$0x0], $0xffff  }
0x115: {  	s25 =	sadd.s32 $0xFFFFFF3B, s19;
	s5 =	smov.u32 @p1 s3;
	v57 =	vand.u32 $0xFFFF0000, v42;
	s11 =	smov.u32 s7;
	v54 =	vadd.f32 v2, v43;
	v21 =	vld.idx.msk [tilespmem:v46+s14+$0x0], $0xffff;
	v41 =	vadd.f32 v41, v59;
	[tilespmem:s18+$0x40] =	vst v44  }
0x116: {  	s3 =	sshll.u32 s5, $0x8;
	s7 =	smov.u32 s12;
	s12 =	sadd.s32 $0x3, s19;
	v42 =	vadd.f32 v57, v51;
	v58 =	vshll.u32 v53, $0x10;
	v59 =	vand.u32 $0xFFFF0000, v53;
	v44 =	vld [tilespmem:s11+$0x420]  }
0x117: {  	s15 =	smov.u32 s8;
	s8 =	sadd.s32 $0x100, s8;
	[tilespmem:s31+$0x430] =	vst v63;
	v63 =	vmul.f32 v16, v10;
	p2 =	sgt.s32 s12, $0xC7;
	v43 =	vadd.f32 v58, v20;
	v47 =	vadd.f32 v59, v18;
	v61 =	vld [tilespmem:s7+$0x50]  }
0x118: {  	s5 =	sshll.u32 s5, $0x7;
	s3 =	sand.u32 $0xFFFFF800, s3;
	s12 =	smov.u32 @p2 s25;
	[tilespmem:s9+$0x40] =	vst v41;
	v57 =	vmul.f32 v17, v1;
	v51 =	vld [tilespmem:s8+$0xFFFFFF80];
	v42 =	vadd.f32 v48, v42;
	v58 =	vshll.u32 v55, $0x10  }
0x119: {  	s5 =	sand.u32 $0x380, s5;
	s25 =	sshll.u32 s12, $0x8;
	s12 =	sshll.u32 s12, $0x7;
	v59 =	vand.u32 $0xFFFF0000, v56;
	v43 =	vadd.f32 v43, v49;
	v49 =	vld [tilespmem:s8+$0x0];
	v41 =	vadd.f32 v58, v63  }
0x11a: {  	s5 =	sor.u32 s5, s3;
	v52 =	vld [tilespmem:s10+$0x50];
	s3 =	sand.u32 $0xFFFFF800, s25;
	s19 =	sand.u32 $0x380, s12;
	v46 =	vadd.f32 v59, v57;
	[tilespmem:s1+$0x470] =	vst v42  }
0x11b: {  	v3 =	vmovc v60;
	v20 =	vmov v22;
	v22 =	vmov v26;
	s12 =	sor.u32 s19, s3;
	[tilespmem:s28+$0x460] =	vst v43;
	v56 =	vld [tilespmem:s5+$0x13200];
	v44 =	vadd.f32 v41, v44  }
0x11c: {  	v26 =	vmovc v38;
	v18 =	vmovc v19;
	v19 =	vmov v25;
	v57 =	vmul.f32 v21, v60;
	s1 =	smov.u32 s16;
	v58 =	vld [tilespmem:s12+$0x13200];
	v38 =	vadd.f32 v61, v46  }
0x11d: {  	v25 =	vmovc v35;
	v35 =	vmul.f32 v45, v60;
	v53 =	vmul.f32 v45, v62;
	s16 =	smov.u32 s18;
	v60 =	vld [tilespmem:s6+$0x410];
	v46 =	vshll.u32 v51, $0x10;
	[tilespmem:s1+$0x420] =	vst v44  }
0x11e: {  	s20 =	sadd.s32 $0x200, s20;
	v41 =	vmul.f32 v45, v0;
	v0 =	vld [tilespmem:$0x1FFF0];
	v61 =	vadd.f32 v46, v57;
	v63 =	vshll.u32 v49, $0x10;
	[tilespmem:s16+$0x50] =	vst v38  }
0x11f: {  	s2 =	sadd.s32 $0x100, s2;
	s25 =	sand.u32 $0x3800, s20;
	v43 =	vmul.f32 v45, v1;
	v49 =	vand.u32 $0xFFFF0000, v49;
	v35 =	vadd.f32 v63, v35;
	v38 =	vld [tilespmem:s11+$0x430]  }
0x120: {  	s25 =	sadd.s32 s25, s26;
	v1 =	vmul.f32 v16, v11;
	s18 =	sand.u32 $0x300, s2;
	v49 =	vadd.f32 v49, v53;
	v53 =	vld [tilespmem:s15+$0xFFFFFFB0];
	v44 =	vadd.f32 v61, v56  }
0x121: {  	v48 =	vmul.f32 v45, v6;
	s19 =	sadd.s32 $0x80, s2;
	v2 =	vand.u32 $0xFFFF0000, v55;
	v52 =	vadd.f32 v52, v54;
	v55 =	vld [tilespmem:s29+$0x60];
	s18 =	sadd.s32 s18, s25  }
0x122: {  	s19 =	sand.u32 $0x380, s19;
	v42 =	vmul.f32 v45, v4;
	v54 =	vadd.f32 v2, v1;
	v57 =	vld [tilespmem:s13+$0x440];
	v35 =	vadd.f32 v35, v58;
	[tilespmem:s18+$0x0] =	vst v44  }
0x123: {  	s3 =	sadd.s32 $0x13200, s12;
	s12 =	sadd.s32 $0x13200, s5;
	s25 =	sadd.s32 s19, s25;
	v51 =	vand.u32 $0xFFFF0000, v51;
	v46 =	vmul.f32 v45, v8;
	v63 =	vmul.f32 v45, v11;
	v58 =	vld [tilespmem:s7+$0x60]  }
0x124: {  	v50 =	vadd.f32 v60, v50;
	v59 =	vmul.f32 v45, v0;
	[tilespmem:s25+$0x0] =	vst v35;
	v35 =	vmul.f32 v17, v0;
	v60 =	vld [tilespmem:s12+$0x10]  }
0x125: {  	v5 =	vmovc v4;
	v4 =	vmovc v62;
	v38 =	vadd.f32 v38, v54;
	v54 =	vmul.f32 v21, v62;
	v0 =	vshll.u32 v53, $0x10  }
0x126: {  	v56 =	vmul.f32 v45, v7;
	v61 =	vmul.f32 v45, v10;
	v62 =	vld [tilespmem:s3+$0x10];
	[tilespmem:s9+$0x50] =	vst v52;
	v0 =	vadd.f32 v0, v35  }
0x127: {  	v44 =	vmul.f32 v45, v9;
	v52 =	vmul.f32 v45, v12;
	v1 =	vld [tilespmem:s15+$0x30];
	[tilespmem:s17+$0x410] =	vst v50;
	v35 =	vadd.f32 v51, v54  }
0x128: {  	[tilespmem:s1+$0x430] =	vst v38;
	v38 =	vshll.u32 v55, $0x10;
	v50 =	vld [tilespmem:s10+$0x60];
	v55 =	vand.u32 $0xFFFF0000, v55;
	v0 =	vadd.f32 v0, v58  }
0x129: {  	v51 =	vmul.f32 v45, v13;
	v54 =	vld [tilespmem:s0+$0xFFFFFFE0];
	v55 =	vadd.f32 v55, v23;
	v60 =	vadd.f32 v60, v35  }
0x12a: {  	v2 =	vld [tilespmem:s0+$0x50];
	v23 =	vmovc v28;
	v28 =	vmov v33;
	v33 =	vmul.f32 v17, v7;
	v58 =	vadd.f32 v38, v24;
	[tilespmem:s16+$0x60] =	vst v0  }
0x12b: {  	v24 =	vmov v27;
	v38 =	vmul.f32 v45, v14;
	v49 =	vadd.f32 v62, v49;
	v0 =	vld [tilespmem:s11+$0x440];
	[tilespmem:s18+$0x10] =	vst v60  }
0x12c: {  	v27 =	vmovc v34;
	v34 =	vmovc v52;
	v35 =	vmul.f32 v45, v15;
	v45 =	vadd.f32 v58, v57;
	v57 =	vshll.u32 v1, $0x10;
	v52 =	vld [tilespmem:s7+$0x70]  }
0x12d: {  	v1 =	vand.u32 $0xFFFF0000, v1;
	v58 =	vmul.f32 v16, v12;
	[tilespmem:s25+$0x10] =	vst v49;
	v49 =	vadd.f32 v57, v40;
	v60 =	vld [tilespmem:s8+$0xFFFFFF90]  }
0x12e: {  	v40 =	vmov v59;
	v1 =	vadd.f32 v1, v39;
	v57 =	vshll.u32 v54, $0x10;
	v59 =	vld [tilespmem:s8+$0x10]  }
0x12f: {  	v53 =	vand.u32 $0xFFFF0000, v53;
	v57 =	vadd.f32 v57, v58;
	v49 =	vadd.f32 v49, v50  }
0x130: {  	[tilespmem:s31+$0x440] =	vst v45;
	v45 =	vadd.f32 v53, v33;
	v33 =	vmovc v51;
	v51 =	vld [tilespmem:s12+$0x20];
	v53 =	vmul.f32 v21, v5;
	v58 =	vshll.u32 v2, $0x10  }
0x131: {  	v39 =	vmovc v56;
	v56 =	vld [tilespmem:s3+$0x20];
	v2 =	vand.u32 $0xFFFF0000, v2;
	v50 =	vadd.f32 v58, v30;
	[tilespmem:s9+$0x60] =	vst v49;
	v0 =	vadd.f32 v57, v0  }
0x132: {  	v30 =	vmovc v37;
	v37 =	vmovc v61;
	v49 =	vld [tilespmem:s6+$0x420];
	v52 =	vadd.f32 v52, v45;
	v45 =	vadd.f32 v2, v29;
	v61 =	vshll.u32 v60, $0x10  }
0x133: {  	v57 =	vld [tilespmem:s10+$0x70];
	v29 =	vmovc v36;
	v36 =	vmov v63;
	v58 =	vshll.u32 v59, $0x10;
	[tilespmem:s1+$0x440] =	vst v0;
	v63 =	vadd.f32 v61, v53  }
0x134: {  	v59 =	vand.u32 $0xFFFF0000, v59;
	v2 =	vadd.f32 v58, v42;
	v53 =	vld [tilespmem:s13+$0x450];
	[tilespmem:s16+$0x70] =	vst v52  }
0x135: {  	v58 =	vadd.f32 v59, v48;
	v48 =	vld [tilespmem:s15+$0xFFFFFFC0];
	v0 =	vadd.f32 v63, v51  }
0x136: {  	v52 =	vld [tilespmem:s11+$0x450]  }
0x137: {  	v61 =	vmul.f32 v16, v13;
	v2 =	vadd.f32 v2, v56;
	v51 =	vld [tilespmem:s30+$0x470];
	[tilespmem:s18+$0x20] =	vst v0  }
0x138: {  	v63 =	vand.u32 $0xFFFF0000, v54;
	s30 =	smov.u32 s13;
	v1 =	vadd.f32 v57, v1;
	v0 =	vld [tilespmem:s7+$0x400]  }
0x139: {  	s13 =	smov.u32 s6;
	s6 =	smov.u32 s10;
	s10 =	smov.u32 s3;
	v42 =	vadd.f32 v63, v61;
	v49 =	vadd.f32 v50, v49;
	[tilespmem:s25+$0x20] =	vst v2;
	v2 =	vmul.f32 v17, v8;
	v54 =	vld [tilespmem:s12+$0x30]  }
0x13a: {  	s4 =	sadd.s32 $0x2, s4;
	v56 =	vld [tilespmem:s10+$0x30];
	[tilespmem:s9+$0x70] =	vst v1;
	v53 =	vadd.f32 v53, v55;
	v57 =	vshll.u32 v48, $0x10  }
0x13b: {  	p0 =	slt.u32 s4, $0x3E;
	v50 =	vld [tilespmem:s15+$0x40];
	[tilespmem:s17+$0x420] =	vst v49;
	v42 =	vadd.f32 v52, v42;
	v2 =	vadd.f32 v57, v2  }
.Ltmp0:
0x13c: {  	v52 =	vmul.f32 v21, v6;
	v47 =	vadd.f32 v51, v47;
	v51 =	vld [tilespmem:s6+$0x400];
	[tilespmem:s31+$0x450] =	vst v53;
	(pc) =	sbr.rel @p0 .LBB2_3-.Ltmp0, $4  }
0x13d: {  	v59 =	vand.u32 $0xFFFF0000, v60;
	[tilespmem:s1+$0x450] =	vst v42;
	v0 =	vadd.f32 v2, v0  }
0x13e: {  	v49 =	vld [tilespmem:s13+$0x430];
	v1 =	vadd.f32 v59, v52;
	[tilespmem:s28+$0x470] =	vst v47  }
0x13f: {  	s28 =	smov.u32 s31;
	v42 =	vld [tilespmem:s0+$0xFFFFFFF0];
	[tilespmem:s16+$0x400] =	vst v0  }
0x140: {  	v62 =	vmovc v4;
	v4 =	vmovc v5;
	v60 =	vmov v3;
	s31 =	smov.u32 s17;
	s17 =	smov.u32 s9;
	s9 =	smov.u32 s25;
	v52 =	vadd.f32 v56, v58;
	v53 =	vadd.f32 v54, v1;
	v47 =	vld [tilespmem:s11+$0x460]  }
0x141: {  	_ = 	snop  }
0x142: {  	[tilespmem:s9+$0x30] =	vst v52  }
0x143: {  	[tilespmem:s18+$0x30] =	vst v53;
	v1 =	vld [tilespmem:s8+$0x20]  }
0x144: {  	v3 =	vld [tilespmem:$0x1FFD0]  }
0x145: {  	v0 =	vld [tilespmem:s8+$0xFFFFFFA0];
	_ =	sdelay $0x1  }
0x146: {  	v52 =	vld [tilespmem:s10+$0x40]  }
0x147: {  	v2 =	vld [tilespmem:s12+$0x40]  }
0x148: {  	v61 =	vmul.f32 v21, v3;
	v63 =	vshll.u32 v1, $0x10  }
0x149: {  	v54 =	vshll.u32 v0, $0x10;
	v41 =	vadd.f32 v63, v41  }
0x14a: {  	v53 =	vadd.f32 v54, v61  }
0x14b: {  	v41 =	vadd.f32 v41, v52  }
0x14c: {  	v2 =	vadd.f32 v53, v2  }
0x14d: {  	[tilespmem:s9+$0x40] =	vst v41  }
0x14e: {  	[tilespmem:s18+$0x40] =	vst v2  }
0x14f: {  	v3 =	vld [tilespmem:$0x1FFE0];
	_ =	sdelay $0x2  }
0x150: {  	v58 =	vld [tilespmem:s10+$0x50]  }
0x151: {  	v2 =	vld [tilespmem:s12+$0x50]  }
0x152: {  	v1 =	vand.u32 $0xFFFF0000, v1;
	v57 =	vmul.f32 v21, v3  }
0x153: {  	v0 =	vand.u32 $0xFFFF0000, v0;
	v1 =	vadd.f32 v1, v43  }
0x154: {  	v0 =	vadd.f32 v0, v57  }
0x155: {  	v1 =	vadd.f32 v58, v1  }
0x156: {  	v0 =	vadd.f32 v2, v0  }
0x157: {  	[tilespmem:s9+$0x50] =	vst v1  }
0x158: {  	[tilespmem:s18+$0x50] =	vst v0  }
0x159: {  	v3 =	vld [tilespmem:$0x1FFF0]  }
0x15a: {  	v0 =	vld [tilespmem:s8+$0xFFFFFFB0]  }
0x15b: {  	v1 =	vld [tilespmem:s8+$0x30];
	_ =	sdelay $0x1  }
0x15c: {  	v59 =	vld [tilespmem:s12+$0x60]  }
0x15d: {  	v63 =	vld [tilespmem:s10+$0x60];
	v61 =	vmul.f32 v21, v3  }
0x15e: {  	v56 =	vshll.u32 v0, $0x10  }
0x15f: {  	v57 =	vshll.u32 v1, $0x10;
	v41 =	vadd.f32 v56, v61  }
0x160: {  	v40 =	vadd.f32 v57, v40  }
0x161: {  	v2 =	vadd.f32 v41, v59  }
0x162: {  	v40 =	vadd.f32 v40, v63  }
0x163: {  	[tilespmem:s18+$0x60] =	vst v2  }
0x164: {  	[tilespmem:s9+$0x60] =	vst v40;
	v2 =	vld [tilespmem:s12+$0x70]  }
0x165: {  	v58 =	vmul.f32 v21, v7;
	v59 =	vld [tilespmem:s10+$0x70]  }
0x166: {  	v0 =	vand.u32 $0xFFFF0000, v0  }
0x167: {  	v1 =	vand.u32 $0xFFFF0000, v1;
	v0 =	vadd.f32 v0, v58  }
0x168: {  	v1 =	vadd.f32 v1, v39  }
0x169: {  	v0 =	vadd.f32 v2, v0  }
0x16a: {  	v1 =	vadd.f32 v59, v1  }
0x16b: {  	[tilespmem:s18+$0x70] =	vst v0  }
0x16c: {  	[tilespmem:s9+$0x70] =	vst v1;
	v0 =	vld [tilespmem:s8+$0xFFFFFFC0]  }
0x16d: {  	v1 =	vld [tilespmem:s8+$0x40];
	_ =	sdelay $0x1  }
0x16e: {  	v61 =	vld [tilespmem:s12+$0x400]  }
0x16f: {  	v52 =	vmul.f32 v21, v8;
	v63 =	vshll.u32 v50, $0x10;
	v53 =	vld [tilespmem:s10+$0x400]  }
0x170: {  	v31 =	vadd.f32 v63, v31;
	v54 =	vshll.u32 v0, $0x10  }
0x171: {  	v55 =	vshll.u32 v1, $0x10;
	v39 =	vadd.f32 v54, v52  }
0x172: {  	v31 =	vadd.f32 v31, v51;
	v40 =	vadd.f32 v55, v46  }
0x173: {  	v56 =	vld [tilespmem:s7+$0x410];
	v2 =	vadd.f32 v39, v61  }
0x174: {  	v57 =	vmul.f32 v17, v9;
	[tilespmem:s17+$0x400] =	vst v31;
	v58 =	vadd.f32 v40, v53  }
0x175: {  	v59 =	vand.u32 $0xFFFF0000, v48;
	v61 =	vld [tilespmem:s6+$0x410];
	[tilespmem:s18+$0x400] =	vst v2  }
0x176: {  	v63 =	vadd.f32 v59, v57;
	[tilespmem:s9+$0x400] =	vst v58;
	v48 =	vld [tilespmem:s12+$0x410]  }
0x177: {  	v51 =	vand.u32 $0xFFFF0000, v50;
	v52 =	vmul.f32 v21, v9;
	v53 =	vld [tilespmem:s10+$0x410]  }
0x178: {  	v31 =	vadd.f32 v51, v32;
	v0 =	vand.u32 $0xFFFF0000, v0;
	v2 =	vadd.f32 v56, v63  }
0x179: {  	v1 =	vand.u32 $0xFFFF0000, v1;
	v0 =	vadd.f32 v0, v52  }
0x17a: {  	v1 =	vadd.f32 v1, v44;
	[tilespmem:s16+$0x410] =	vst v2;
	v54 =	vadd.f32 v61, v31  }
0x17b: {  	v31 =	vld [tilespmem:s15+$0xFFFFFFD0];
	v0 =	vadd.f32 v48, v0  }
0x17c: {  	v55 =	vld [tilespmem:s7+$0x420];
	v1 =	vadd.f32 v53, v1;
	[tilespmem:s17+$0x410] =	vst v54  }
0x17d: {  	v2 =	vld [tilespmem:s15+$0x50];
	[tilespmem:s18+$0x410] =	vst v0  }
0x17e: {  	[tilespmem:s9+$0x410] =	vst v1;
	v0 =	vld [tilespmem:s8+$0xFFFFFFD0]  }
0x17f: {  	v56 =	vmul.f32 v17, v10;
	v39 =	vld [tilespmem:s8+$0x50]  }
0x180: {  	v58 =	vld [tilespmem:s6+$0x420];
	v57 =	vshll.u32 v31, $0x10  }
0x181: {  	v1 =	vadd.f32 v57, v56;
	v59 =	vld [tilespmem:s12+$0x420]  }
0x182: {  	v63 =	vmul.f32 v21, v10;
	v48 =	vld [tilespmem:s10+$0x420];
	v61 =	vshll.u32 v2, $0x10  }
0x183: {  	v1 =	vadd.f32 v1, v55;
	v30 =	vadd.f32 v61, v30;
	v50 =	vshll.u32 v0, $0x10  }
0x184: {  	v51 =	vshll.u32 v39, $0x10;
	v32 =	vadd.f32 v50, v63  }
0x185: {  	v53 =	vadd.f32 v51, v37;
	[tilespmem:s16+$0x420] =	vst v1;
	v52 =	vadd.f32 v30, v58  }
0x186: {  	v54 =	vld [tilespmem:s7+$0x430];
	v32 =	vadd.f32 v32, v59  }
0x187: {  	v55 =	vmul.f32 v17, v11;
	v56 =	vadd.f32 v53, v48;
	[tilespmem:s17+$0x420] =	vst v52  }
0x188: {  	v57 =	vand.u32 $0xFFFF0000, v31;
	v58 =	vld [tilespmem:s6+$0x430];
	[tilespmem:s18+$0x420] =	vst v32  }
0x189: {  	v30 =	vadd.f32 v57, v55;
	[tilespmem:s9+$0x420] =	vst v56;
	v59 =	vadd.f32 v49, v45;
	v61 =	vld [tilespmem:s12+$0x430]  }
0x18a: {  	v44 =	vmul.f32 v21, v11;
	v63 =	vand.u32 $0xFFFF0000, v2;
	v45 =	vld [tilespmem:s10+$0x430]  }
0x18b: {  	v0 =	vand.u32 $0xFFFF0000, v0;
	v1 =	vadd.f32 v63, v29;
	[tilespmem:s31+$0x430] =	vst v59;
	v30 =	vadd.f32 v54, v30  }
0x18c: {  	v48 =	vand.u32 $0xFFFF0000, v39;
	v0 =	vadd.f32 v0, v44;
	v46 =	vld [tilespmem:s0+$0x60]  }
0x18d: {  	v2 =	vadd.f32 v48, v36;
	v32 =	vld [tilespmem:s13+$0x440];
	[tilespmem:s16+$0x430] =	vst v30;
	v1 =	vadd.f32 v58, v1  }
0x18e: {  	v30 =	vld [tilespmem:s15+$0xFFFFFFE0];
	v0 =	vadd.f32 v61, v0  }
0x18f: {  	v49 =	vld [tilespmem:s7+$0x440];
	v50 =	vadd.f32 v45, v2;
	[tilespmem:s17+$0x430] =	vst v1  }
0x190: {  	v2 =	vld [tilespmem:s15+$0x60];
	[tilespmem:s18+$0x430] =	vst v0  }
0x191: {  	[tilespmem:s9+$0x430] =	vst v50;
	v51 =	vshll.u32 v46, $0x10;
	v0 =	vld [tilespmem:s8+$0xFFFFFFE0]  }
0x192: {  	v52 =	vmul.f32 v17, v12;
	v1 =	vld [tilespmem:s8+$0x60];
	v24 =	vadd.f32 v51, v24  }
0x193: {  	v53 =	vld [tilespmem:s6+$0x440];
	v54 =	vshll.u32 v30, $0x10  }
0x194: {  	v55 =	vld [tilespmem:s12+$0x440];
	v36 =	vadd.f32 v54, v52;
	v24 =	vadd.f32 v24, v32  }
0x195: {  	v57 =	vmul.f32 v21, v12;
	v58 =	vld [tilespmem:s10+$0x440];
	v56 =	vshll.u32 v2, $0x10  }
0x196: {  	v31 =	vadd.f32 v36, v49;
	[tilespmem:s31+$0x440] =	vst v24;
	v27 =	vadd.f32 v56, v27;
	v59 =	vshll.u32 v0, $0x10  }
0x197: {  	v61 =	vshll.u32 v1, $0x10;
	v39 =	vld [tilespmem:s13+$0x450];
	v32 =	vadd.f32 v59, v57  }
0x198: {  	v37 =	vadd.f32 v61, v34;
	[tilespmem:s16+$0x440] =	vst v31;
	v63 =	vadd.f32 v27, v53  }
0x199: {  	v44 =	vand.u32 $0xFFFF0000, v46;
	v41 =	vld [tilespmem:s7+$0x450];
	v32 =	vadd.f32 v32, v55  }
0x19a: {  	v45 =	vmul.f32 v17, v13;
	v23 =	vadd.f32 v44, v23;
	v43 =	vadd.f32 v37, v58;
	v27 =	vld [tilespmem:s29+$0x70];
	[tilespmem:s17+$0x440] =	vst v63  }
0x19b: {  	v48 =	vand.u32 $0xFFFF0000, v30;
	v46 =	vld [tilespmem:s6+$0x450];
	[tilespmem:s18+$0x440] =	vst v32  }
0x19c: {  	v50 =	vadd.f32 v48, v45;
	[tilespmem:s9+$0x440] =	vst v43;
	v23 =	vadd.f32 v39, v23;
	v49 =	vld [tilespmem:s12+$0x450]  }
0x19d: {  	v51 =	vmul.f32 v21, v13;
	v2 =	vand.u32 $0xFFFF0000, v2;
	v52 =	vld [tilespmem:s10+$0x450]  }
0x19e: {  	v2 =	vadd.f32 v2, v28;
	v0 =	vand.u32 $0xFFFF0000, v0;
	v55 =	vld [tilespmem:s30+$0x460];
	v24 =	vadd.f32 v41, v50;
	[tilespmem:s31+$0x450] =	vst v23  }
0x19f: {  	v1 =	vand.u32 $0xFFFF0000, v1;
	v0 =	vadd.f32 v0, v51;
	v23 =	vld [tilespmem:s0+$0x70]  }
0x1a0: {  	v1 =	vadd.f32 v1, v33;
	v59 =	vld [tilespmem:s13+$0x460];
	[tilespmem:s16+$0x450] =	vst v24;
	v2 =	vadd.f32 v46, v2  }
0x1a1: {  	v24 =	vld [tilespmem:s15+$0xFFFFFFF0];
	v0 =	vadd.f32 v49, v0  }
0x1a2: {  	v1 =	vadd.f32 v52, v1;
	v56 =	vld [tilespmem:s7+$0x460];
	[tilespmem:s17+$0x450] =	vst v2  }
0x1a3: {  	v2 =	vld [tilespmem:s15+$0x70];
	[tilespmem:s18+$0x450] =	vst v0  }
0x1a4: {  	v54 =	vshll.u32 v42, $0x10;
	v53 =	vmul.f32 v16, v14;
	v57 =	vshll.u32 v27, $0x10;
	[tilespmem:s9+$0x450] =	vst v1;
	v28 =	vld [tilespmem:s8+$0xFFFFFFF0]  }
0x1a5: {  	v58 =	vmul.f32 v17, v14;
	v16 =	vmul.f32 v16, v15;
	v20 =	vadd.f32 v57, v20;
	v1 =	vld [tilespmem:s8+$0x70]  }
0x1a6: {  	v41 =	vmul.f32 v21, v14;
	v40 =	vshll.u32 v23, $0x10;
	v43 =	vld [tilespmem:s6+$0x460];
	v0 =	vadd.f32 v54, v53  }
0x1a7: {  	v44 =	vadd.f32 v20, v55;
	v45 =	vadd.f32 v40, v22;
	v61 =	vshll.u32 v24, $0x10;
	v63 =	vld [tilespmem:s12+$0x460]  }
0x1a8: {  	v31 =	vadd.f32 v61, v58;
	v0 =	vadd.f32 v0, v47;
	v47 =	vld [tilespmem:s10+$0x460];
	v49 =	vshll.u32 v2, $0x10  }
0x1a9: {  	[tilespmem:s28+$0x460] =	vst v44;
	v50 =	vadd.f32 v45, v59;
	v51 =	vadd.f32 v49, v26;
	v46 =	vshll.u32 v28, $0x10  }
0x1aa: {  	v53 =	vld [tilespmem:s30+$0x470];
	v30 =	vadd.f32 v31, v56;
	v52 =	vshll.u32 v1, $0x10;
	[tilespmem:s1+$0x460] =	vst v0;
	v22 =	vadd.f32 v46, v41  }
0x1ab: {  	v27 =	vand.u32 $0xFFFF0000, v27;
	[tilespmem:s31+$0x460] =	vst v50;
	v26 =	vadd.f32 v52, v38;
	v48 =	vld [tilespmem:s11+$0x470];
	v55 =	vadd.f32 v51, v43  }
0x1ac: {  	v17 =	vmul.f32 v17, v15;
	v18 =	vadd.f32 v27, v18;
	v56 =	vld [tilespmem:s13+$0x470];
	[tilespmem:s16+$0x460] =	vst v30;
	v22 =	vadd.f32 v22, v63  }
0x1ad: {  	v23 =	vand.u32 $0xFFFF0000, v23;
	v54 =	vand.u32 $0xFFFF0000, v42;
	v30 =	vld [tilespmem:s7+$0x470];
	v57 =	vadd.f32 v26, v47;
	[tilespmem:s17+$0x460] =	vst v55  }
0x1ae: {  	v19 =	vadd.f32 v23, v19;
	v24 =	vand.u32 $0xFFFF0000, v24;
	v16 =	vadd.f32 v54, v16;
	v0 =	vld [tilespmem:s6+$0x470];
	[tilespmem:s18+$0x460] =	vst v22  }
0x1af: {  	v17 =	vadd.f32 v24, v17;
	v18 =	vadd.f32 v53, v18;
	[tilespmem:s9+$0x460] =	vst v57;
	v58 =	vld [tilespmem:s12+$0x470]  }
0x1b0: {  	v59 =	vmul.f32 v21, v15;
	v2 =	vand.u32 $0xFFFF0000, v2;
	v16 =	vadd.f32 v48, v16;
	v22 =	vld [tilespmem:s10+$0x470]  }
0x1b1: {  	v2 =	vadd.f32 v2, v25;
	v61 =	vand.u32 $0xFFFF0000, v28;
	[tilespmem:s28+$0x470] =	vst v18;
	v63 =	vadd.f32 v56, v19  }
0x1b2: {  	v1 =	vand.u32 $0xFFFF0000, v1;
	[tilespmem:s1+$0x470] =	vst v16;
	v16 =	vadd.f32 v30, v17;
	v17 =	vadd.f32 v61, v59  }
0x1b3: {  	v1 =	vadd.f32 v1, v35;
	[tilespmem:s31+$0x470] =	vst v63;
	v0 =	vadd.f32 v0, v2  }
0x1b4: {  	[tilespmem:s16+$0x470] =	vst v16;
	v16 =	vadd.f32 v58, v17  }
0x1b5: {  	v1 =	vadd.f32 v22, v1;
	[tilespmem:s17+$0x470] =	vst v0  }
0x1b6: {  	s2 =	rddreg [dreg:$0x1];
	[tilespmem:s18+$0x470] =	vst v16  }
0x1b7: {  	s30 =	rddreg [dreg:$0xc];
	[tilespmem:s9+$0x470] =	vst v1  }
0x1b8: {  	s0 =	sshll.u32 s30, $0x5;
	s1 =	rddreg [dreg:$0xb]  }
0x1b9: {  	s31 =	simm.s32 $0x0;
	s1 =	sadd.s32 $0x5, s1;
	s0 =	sadd.s32 s2, s0  }
0x1ba: {  	[hbm4b:s0+s31] =	stream.linear.scatter [tilespmem:s26], [sflag:s1], $0x4000, $0x38;
	[tilespmem:$0x1FB00] =	vst v63  }
0x1bb: {  	s0 =	sadd.s32 $0x40, s24  }
0x1bc: {  	s23 =	sadd.s32 $0x1, s23;
	s1 =	sadd.s32 $0xFFFFFF78, s24;
	p0 =	sgt.s32 s0, $0xC7  }
0x1bd: {  	s0 =	smov.u32 @p0 s1;
	p0 =	sne.s32 s23, $0x64  }
.Ltmp1:
0x1be: {  	_ = 	snop;
	(pc) =	sbr.rel @p0 .LBB2_2-.Ltmp1, $2  }
0x1bf: {  	_ =	sdelay $0x2  }
0x1c0: {  	s22 =	sadd.s32 $0x40, s22;
	s21 =	sadd.s32 $0x1, s21;
	s24 =	smov.u32 s0  }
0x1c1: {  	s0 =	simm.s32 $0x5  }
0x1c2: {  	_ =	swait.ge [sflag:s0], $0x4000  }
0x1c3: {  	[sflag:s0] =	ssyncset.done $0x0  }
0x1c4: {  	s1 =	simm.s32 $0x6;
	[sflag:s0] =	ssyncadd.s32 $0xFFFFC000  }
0x1c5: {  	_ =	swait.ge [sflag:s1], $0x4000  }
0x1c6: {  	s2 =	rddreg [dreg:$0xa]  }
0x1c7: {  	s31 =	rddreg [dreg:$0x9];
	s2 =	sadd.s32 $0x1, s2  }
0x1c8: {  	p0 =	sne.s32 s2, s31  }
.Ltmp2:
0x1c9: {  	_ = 	snop;
	(pc) =	sbr.rel @p0 .LBB2_1-.Ltmp2, $3  }
0x1ca: {  	_ =	sdelay $0x1  }
0x1cb: {  	[sflag:s1] =	ssyncset.done $0x0  }
0x1cc: {  	[sflag:s1] =	ssyncadd.s32 $0xFFFFC000  }
0x1cd: {  	_ =	sfence.sel $0x180000  }
0x1ce: {  	[bflag:$0x0] =	sbarrier.arrive $0xFFFF  }
0x1cf: {  	_ =	strace $0x90000047  }
0x1d0: {  	s0 =	stileid.u32;
	[bflag:$0x2] =	sbarrier.arrive $0xFFFF  }
0x1d1: {  	p0 =	sne.s32 s0, $0x0;
	s0 =	rddreg [dreg:$0x2]  }
0x1d2: {  	s0 =	sadd.s32 @!p0 $0x100000, s0  }
0x1d3: {  	[sflag:s0] =	ssyncadd.tile.s32 @!p0 $0x1;
	_ =	shalt  }
.Lfunc_end2:
_tile_overlayer_lowered:
.L_overlay_start_2:
0x1d4: {  	(tag) =	ssettag $0x2  }
0x1d5: {  	s0 =	rddreg [dreg:$0x0];
	s2 =	stileid.u32  }
0x1d6: {  	s1 =	rddreg [dreg:$0x1];
	p0 =	sne.s32 s2, $0x0  }
0x1d7: {  	s3 =	rddreg [dreg:$0x2];
	[bflag:$0x3] =	sbarrier.arrive $0xFFFF;
	s2 =	simm.s32 @!p0 $0x1C07  }
0x1d8: {  	[timem:s3], [sflag:s2] =	dma.local @!p0 [hbm:s0], s1  }
0x1d9: {  	s0 =	simm.s32 @!p0 $0x7  }
0x1da: {  	_ =	swait.ge @!p0 [sflag:s0], s1  }
0x1db: {  	s1 =	ssub.s32 @!p0 $0x0, s1;
	[sflag:s0] =	ssyncset.done @!p0 $0x0  }
0x1dc: {  	[sflag:s0] =	ssyncadd.s32 @!p0 s1  }
0x1dd: {  	[bflag:$0x3] =	sbarrier.arrive $0xFFFF  }
0x1de: {  	_ =	shalt  }

</sc_bundles>
